<compile_context>
chip_gen: v7x
topology: tpu7x:2x2x1
jax: 0.10.2.dev20260603
libtpu: 0.0.44.dev20260713+nightly
codegen_flags: <defaults>
</compile_context>

<pallas_src>
import functools

import jax
import jax.numpy as jnp
from jax import lax
from jax.experimental import pallas as pl
from jax.experimental.pallas import tpu as pltpu
from jax.experimental.pallas import tpu_sc as plsc

_LABELNUM = 1000
_NC = 2
_NS = 16
_NW = _NC * _NS
_BLK_ROWS = 64
_NBUF = 2
_BLK_WORDS = _BLK_ROWS * _LABELNUM


def _onehot_body(rows_per_w, idx_hbm, out_hbm, idx_v, buf, *sems):
    nblk = rows_per_w // _BLK_ROWS
    wid = lax.axis_index("s") * _NC + lax.axis_index("c")
    base_row = wid * rows_per_w

    pltpu.sync_copy(idx_hbm.at[pl.ds(base_row, rows_per_w)], idx_v)

    def zero_body(i, carry):
        buf[pl.ds(i * 16, 16)] = jnp.zeros((16,), jnp.float32)
        return carry

    lax.fori_loop(0, (_NBUF * _BLK_WORDS) // 16, zero_body, 0)

    ones = jnp.ones((16,), jnp.float32)
    zeros = jnp.zeros((16,), jnp.float32)
    rows16 = lax.iota(jnp.int32, 16)

    def positions(blk, j, p):
        labs = idx_v[pl.ds(blk * _BLK_ROWS + j * 16, 16)]
        local = (rows16 + j * 16) * _LABELNUM + labs
        return local + p * _BLK_WORDS

    copies = [None] * _NBUF
    for b in range(nblk):
        p = b % _NBUF
        if b >= _NBUF:
            copies[p].wait()
            for j in range(_BLK_ROWS // 16):
                plsc.store_scatter(buf, [positions(b - _NBUF, j, p)], zeros)
        for j in range(_BLK_ROWS // 16):
            plsc.store_scatter(buf, [positions(b, j, p)], ones)
        cp = pltpu.make_async_copy(
            buf.at[pl.ds(p * _BLK_WORDS, _BLK_WORDS)],
            out_hbm.at[pl.ds((base_row + b * _BLK_ROWS) * _LABELNUM, _BLK_WORDS)],
            sems[p],
        )
        cp.start()
        copies[p] = cp
    for p in range(_NBUF):
        copies[p].wait()


def kernel(input):
    B = input.shape[0]
    rows_per_w = B // _NW
    idx_flat = input.reshape(-1).astype(jnp.int32)
    mesh = plsc.VectorSubcoreMesh(core_axis_name="c", subcore_axis_name="s")
    sc_call = pl.kernel(
        functools.partial(_onehot_body, rows_per_w),
        out_type=jax.ShapeDtypeStruct((B * _LABELNUM,), jnp.float32),
        mesh=mesh,
        compiler_params=pltpu.CompilerParams(needs_layout_passes=False),
        scratch_types=[
            pltpu.VMEM((rows_per_w,), jnp.int32),
            pltpu.VMEM((_NBUF * _BLK_WORDS,), jnp.float32),
        ]
        + [pltpu.SemaphoreType.DMA] * _NBUF,
    )
    return sc_call(idx_flat)

# --- scband reference (transcript-rebuilt; emitter-appended) ---
"""Pipeline reference for scband-label2onehot-58085137711729 (READ-ONLY COPY).

The authoritative reference and input builder live on the scoring server;
editing this copy changes nothing except your own understanding.
"""

import jax, jax.numpy as jnp
import numpy as np

LABELNUM = 1000
BATCH = 16384


def setup_inputs(seed: int = 0) -> dict:
    key = jax.random.key(seed)
    inp = jax.random.randint(key, (BATCH, 1), 0, LABELNUM, dtype=jnp.int64)
    return {"input": inp}


def reference(input):
    # Faithful translation of torch.scatter_add(output, dim=1, index=index, src=src)
    # where output = zeros([B, labelnum]), src = ones([B, labelnum]), index shape [B, 1].
    # Torch semantics: only index's extent (here 1 column) of src is scattered, so
    # output[b, index[b, 0]] += src[b, 0] == 1.0 -> one-hot (with multiplicity if dupes).
    B = input.shape[0]
    output = jnp.zeros((B, LABELNUM), dtype=jnp.float32)
    src = jnp.ones((B, LABELNUM), dtype=jnp.float32)
    rows = jnp.arange(B)
    idx = input[:, 0].astype(jnp.int32)
    output = output.at[rows, idx].add(src[:, 0])
    return output

if __name__ == "__main__":
    import jax
    _d = setup_inputs()
    print(jax.jit(kernel)(*tuple(_d.values())))

</pallas_src>

<mosaic_0001>
#map = affine_map<(d0, d1) -> (0)>
module attributes {stable_mosaic.version = 14 : i64} {
  func.func @_onehot_body(%arg0: i32, %arg1: i32, %arg2: memref<16384xi32, #tpu.memory_space<hbm>>, %arg3: memref<16384000xf32, #tpu.memory_space<hbm>>, %arg4: memref<512xi32, #tpu.memory_space<vmem>>, %arg5: memref<128000xf32, #tpu.memory_space<vmem>>, %arg6: memref<!tpu.dma_semaphore, #tpu.memory_space<semaphore_mem>>, %arg7: memref<!tpu.dma_semaphore, #tpu.memory_space<semaphore_mem>>) attributes {dimension_semantics = [#tpu.dimension_semantics<core_parallel>, #tpu.dimension_semantics<subcore_parallel>], iteration_bounds = array<i64: 2, 16>, scalar_prefetch = 0 : i64, scratch_operands = 4 : i64, tpu.core_type = #tpu.core_type<sc_vector_subcore>, window_params = [{transform_indices = #map}, {transform_indices = #map}]} {
    %mul3A = arith.constant 2 : i32
    %mul3A_0 = arith.muli %arg1, %mul3A : i32
    %add3A = arith.addi %mul3A_0, %arg0 : i32
    %mul3A_1 = arith.constant 512 : i32
    %mul3A_2 = arith.muli %add3A, %mul3A_1 : i32
    "tpu.region"() ({
      %run_scoped3A = tpu.sem_alloc : memref<!tpu.dma_semaphore, #tpu.memory_space<semaphore_mem>>
      %dma_start3A_808 = tpu.memref_slice %arg2[%mul3A_2] : memref<16384xi32, #tpu.memory_space<hbm>> -> memref<512xi32, #tpu.memory_space<hbm>>
      %dma_start3A_809 = tpu.memref_slice %arg2[%mul3A_2] : memref<16384xi32, #tpu.memory_space<hbm>> -> memref<512xi32, #tpu.memory_space<hbm>>
      tpu.enqueue_dma source(%dma_start3A_809 : memref<512xi32, #tpu.memory_space<hbm>>) target(%arg4 : memref<512xi32, #tpu.memory_space<vmem>>) target_semaphore(%run_scoped3A : memref<!tpu.dma_semaphore, #tpu.memory_space<semaphore_mem>>)
      %dma_wait3A_810 = tpu.memref_slice %arg2[%mul3A_2] : memref<16384xi32, #tpu.memory_space<hbm>> -> memref<512xi32, #tpu.memory_space<hbm>>
      %dma_wait3A_811 = tpu.memref_slice %arg2[%mul3A_2] : memref<16384xi32, #tpu.memory_space<hbm>> -> memref<512xi32, #tpu.memory_space<hbm>>
      tpu.wait_dma2 semaphore(%run_scoped3A : memref<!tpu.dma_semaphore, #tpu.memory_space<semaphore_mem>>) src(%dma_wait3A_811 : memref<512xi32, #tpu.memory_space<hbm>>) dst(%arg4 : memref<512xi32, #tpu.memory_space<vmem>>)
      tpu.yield
    }) : () -> ()
    %scan3A = arith.constant 0 : i32
    %scan3A_3 = arith.constant 0 : i32
    %scan3A_4 = arith.constant 8000 : i32
    %scan3A_5 = arith.addi %scan3A_3, %scan3A_4 : i32
    %scan3A_6 = arith.constant 1 : i32
    scf.for %scan3A_808 = %scan3A_3 to %scan3A_5 step %scan3A_6  : i32 {
      %broadcast_in_dim3A_809 = arith.constant 0.000000e+00 : f32
      %broadcast_in_dim3A_810 = vector.broadcast %broadcast_in_dim3A_809 : f32 to vector<16xf32>
      %mul3A_811 = arith.constant 16 : i32
      %mul3A_812 = arith.muli %scan3A_808, %mul3A_811 : i32
      %swap3A = arith.index_cast %mul3A_812 : i32 to index
      %swap3A_813 = tpu.vector_load %arg5[%swap3A] {strides = array<i32>} : memref<128000xf32, #tpu.memory_space<vmem>>, vector<16xf32>,
      tpu.vector_store %arg5[%swap3A], %broadcast_in_dim3A_810 {strides = array<i32>} : memref<128000xf32, #tpu.memory_space<vmem>>, vector<16xf32>,
    }
    %scan3A_7 = arith.constant 8000 : i32
    %broadcast_in_dim3A = arith.constant 1.000000e+00 : f32
    %broadcast_in_dim3A_8 = vector.broadcast %broadcast_in_dim3A : f32 to vector<16xf32>
    %broadcast_in_dim3A_9 = arith.constant 0.000000e+00 : f32
    %broadcast_in_dim3A_10 = vector.broadcast %broadcast_in_dim3A_9 : f32 to vector<16xf32>
    %iota3A = tpu.iota {dimensions = array<i32: 0>} : vector<16xi32>
    %get3A = arith.constant 0 : index
    %get3A_11 = tpu.vector_load %arg4[%get3A] {strides = array<i32>} : memref<512xi32, #tpu.memory_space<vmem>>, vector<16xi32>,
    %add3A_12 = arith.constant 0 : i32
    %add3A_13 = vector.broadcast %add3A_12 : i32 to vector<16xi32>
    %add3A_14 = arith.addi %iota3A, %add3A_13 : vector<16xi32>
    %mul3A_15 = arith.constant 1000 : i32
    %mul3A_16 = vector.broadcast %mul3A_15 : i32 to vector<16xi32>
    %mul3A_17 = arith.muli %add3A_14, %mul3A_16 : vector<16xi32>
    %add3A_18 = arith.addi %mul3A_17, %get3A_11 : vector<16xi32>
    %add3A_19 = arith.constant 0 : i32
    %add3A_20 = vector.broadcast %add3A_19 : i32 to vector<16xi32>
    %add3A_21 = arith.addi %add3A_18, %add3A_20 : vector<16xi32>
    tpu.vector_store_idx %arg5[%add3A_21], %broadcast_in_dim3A_8 : memref<128000xf32, #tpu.memory_space<vmem>>[vector<16xi32>], vector<16xf32>,
    %get3A_22 = arith.constant 16 : index
    %get3A_23 = tpu.vector_load %arg4[%get3A_22] {strides = array<i32>} : memref<512xi32, #tpu.memory_space<vmem>>, vector<16xi32>,
    %add3A_24 = arith.constant 16 : i32
    %add3A_25 = vector.broadcast %add3A_24 : i32 to vector<16xi32>
    %add3A_26 = arith.addi %iota3A, %add3A_25 : vector<16xi32>
    %mul3A_27 = arith.constant 1000 : i32
    %mul3A_28 = vector.broadcast %mul3A_27 : i32 to vector<16xi32>
    %mul3A_29 = arith.muli %add3A_26, %mul3A_28 : vector<16xi32>
    %add3A_30 = arith.addi %mul3A_29, %get3A_23 : vector<16xi32>
    %add3A_31 = arith.constant 0 : i32
    %add3A_32 = vector.broadcast %add3A_31 : i32 to vector<16xi32>
    %add3A_33 = arith.addi %add3A_30, %add3A_32 : vector<16xi32>
    tpu.vector_store_idx %arg5[%add3A_33], %broadcast_in_dim3A_8 : memref<128000xf32, #tpu.memory_space<vmem>>[vector<16xi32>], vector<16xf32>,
    %get3A_34 = arith.constant 32 : index
    %get3A_35 = tpu.vector_load %arg4[%get3A_34] {strides = array<i32>} : memref<512xi32, #tpu.memory_space<vmem>>, vector<16xi32>,
    %add3A_36 = arith.constant 32 : i32
    %add3A_37 = vector.broadcast %add3A_36 : i32 to vector<16xi32>
    %add3A_38 = arith.addi %iota3A, %add3A_37 : vector<16xi32>
    %mul3A_39 = arith.constant 1000 : i32
    %mul3A_40 = vector.broadcast %mul3A_39 : i32 to vector<16xi32>
    %mul3A_41 = arith.muli %add3A_38, %mul3A_40 : vector<16xi32>
    %add3A_42 = arith.addi %mul3A_41, %get3A_35 : vector<16xi32>
    %add3A_43 = arith.constant 0 : i32
    %add3A_44 = vector.broadcast %add3A_43 : i32 to vector<16xi32>
    %add3A_45 = arith.addi %add3A_42, %add3A_44 : vector<16xi32>
    tpu.vector_store_idx %arg5[%add3A_45], %broadcast_in_dim3A_8 : memref<128000xf32, #tpu.memory_space<vmem>>[vector<16xi32>], vector<16xf32>,
    %get3A_46 = arith.constant 48 : index
    %get3A_47 = tpu.vector_load %arg4[%get3A_46] {strides = array<i32>} : memref<512xi32, #tpu.memory_space<vmem>>, vector<16xi32>,
    %add3A_48 = arith.constant 48 : i32
    %add3A_49 = vector.broadcast %add3A_48 : i32 to vector<16xi32>
    %add3A_50 = arith.addi %iota3A, %add3A_49 : vector<16xi32>
    %mul3A_51 = arith.constant 1000 : i32
    %mul3A_52 = vector.broadcast %mul3A_51 : i32 to vector<16xi32>
    %mul3A_53 = arith.muli %add3A_50, %mul3A_52 : vector<16xi32>
    %add3A_54 = arith.addi %mul3A_53, %get3A_47 : vector<16xi32>
    %add3A_55 = arith.constant 0 : i32
    %add3A_56 = vector.broadcast %add3A_55 : i32 to vector<16xi32>
    %add3A_57 = arith.addi %add3A_54, %add3A_56 : vector<16xi32>
    tpu.vector_store_idx %arg5[%add3A_57], %broadcast_in_dim3A_8 : memref<128000xf32, #tpu.memory_space<vmem>>[vector<16xi32>], vector<16xf32>,
    %add3A_58 = arith.constant 0 : i32
    %add3A_59 = arith.addi %mul3A_2, %add3A_58 : i32
    %mul3A_60 = arith.constant 1000 : i32
    %mul3A_61 = arith.muli %add3A_59, %mul3A_60 : i32
    %dma_start3A = arith.constant 0 : i32
    %dma_start3A_62 = tpu.memref_slice %arg5[%dma_start3A] : memref<128000xf32, #tpu.memory_space<vmem>> -> memref<64000xf32, #tpu.memory_space<vmem>>
    %dma_start3A_63 = tpu.memref_slice %arg3[%mul3A_61] : memref<16384000xf32, #tpu.memory_space<hbm>> -> memref<64000xf32, #tpu.memory_space<hbm>>
    %dma_start3A_64 = tpu.memref_slice %arg3[%mul3A_61] : memref<16384000xf32, #tpu.memory_space<hbm>> -> memref<64000xf32, #tpu.memory_space<hbm>>
    %dma_start3A_65 = arith.constant 0 : i32
    %dma_start3A_66 = tpu.memref_slice %arg5[%dma_start3A_65] : memref<128000xf32, #tpu.memory_space<vmem>> -> memref<64000xf32, #tpu.memory_space<vmem>>
    tpu.enqueue_dma source(%dma_start3A_66 : memref<64000xf32, #tpu.memory_space<vmem>>) target(%dma_start3A_64 : memref<64000xf32, #tpu.memory_space<hbm>>) target_semaphore(%arg6 : memref<!tpu.dma_semaphore, #tpu.memory_space<semaphore_mem>>)
    %get3A_67 = arith.constant 64 : index
    %get3A_68 = tpu.vector_load %arg4[%get3A_67] {strides = array<i32>} : memref<512xi32, #tpu.memory_space<vmem>>, vector<16xi32>,
    %add3A_69 = arith.constant 0 : i32
    %add3A_70 = vector.broadcast %add3A_69 : i32 to vector<16xi32>
    %add3A_71 = arith.addi %iota3A, %add3A_70 : vector<16xi32>
    %mul3A_72 = arith.constant 1000 : i32
    %mul3A_73 = vector.broadcast %mul3A_72 : i32 to vector<16xi32>
    %mul3A_74 = arith.muli %add3A_71, %mul3A_73 : vector<16xi32>
    %add3A_75 = arith.addi %mul3A_74, %get3A_68 : vector<16xi32>
    %add3A_76 = arith.constant 64000 : i32
    %add3A_77 = vector.broadcast %add3A_76 : i32 to vector<16xi32>
    %add3A_78 = arith.addi %add3A_75, %add3A_77 : vector<16xi32>
    tpu.vector_store_idx %arg5[%add3A_78], %broadcast_in_dim3A_8 : memref<128000xf32, #tpu.memory_space<vmem>>[vector<16xi32>], vector<16xf32>,
    %get3A_79 = arith.constant 80 : index
    %get3A_80 = tpu.vector_load %arg4[%get3A_79] {strides = array<i32>} : memref<512xi32, #tpu.memory_space<vmem>>, vector<16xi32>,
    %add3A_81 = arith.constant 16 : i32
    %add3A_82 = vector.broadcast %add3A_81 : i32 to vector<16xi32>
    %add3A_83 = arith.addi %iota3A, %add3A_82 : vector<16xi32>
    %mul3A_84 = arith.constant 1000 : i32
    %mul3A_85 = vector.broadcast %mul3A_84 : i32 to vector<16xi32>
    %mul3A_86 = arith.muli %add3A_83, %mul3A_85 : vector<16xi32>
    %add3A_87 = arith.addi %mul3A_86, %get3A_80 : vector<16xi32>
    %add3A_88 = arith.constant 64000 : i32
    %add3A_89 = vector.broadcast %add3A_88 : i32 to vector<16xi32>
    %add3A_90 = arith.addi %add3A_87, %add3A_89 : vector<16xi32>
    tpu.vector_store_idx %arg5[%add3A_90], %broadcast_in_dim3A_8 : memref<128000xf32, #tpu.memory_space<vmem>>[vector<16xi32>], vector<16xf32>,
    %get3A_91 = arith.constant 96 : index
    %get3A_92 = tpu.vector_load %arg4[%get3A_91] {strides = array<i32>} : memref<512xi32, #tpu.memory_space<vmem>>, vector<16xi32>,
    %add3A_93 = arith.constant 32 : i32
    %add3A_94 = vector.broadcast %add3A_93 : i32 to vector<16xi32>
    %add3A_95 = arith.addi %iota3A, %add3A_94 : vector<16xi32>
    %mul3A_96 = arith.constant 1000 : i32
    %mul3A_97 = vector.broadcast %mul3A_96 : i32 to vector<16xi32>
    %mul3A_98 = arith.muli %add3A_95, %mul3A_97 : vector<16xi32>
    %add3A_99 = arith.addi %mul3A_98, %get3A_92 : vector<16xi32>
    %add3A_100 = arith.constant 64000 : i32
    %add3A_101 = vector.broadcast %add3A_100 : i32 to vector<16xi32>
    %add3A_102 = arith.addi %add3A_99, %add3A_101 : vector<16xi32>
    tpu.vector_store_idx %arg5[%add3A_102], %broadcast_in_dim3A_8 : memref<128000xf32, #tpu.memory_space<vmem>>[vector<16xi32>], vector<16xf32>,
    %get3A_103 = arith.constant 112 : index
    %get3A_104 = tpu.vector_load %arg4[%get3A_103] {strides = array<i32>} : memref<512xi32, #tpu.memory_space<vmem>>, vector<16xi32>,
    %add3A_105 = arith.constant 48 : i32
    %add3A_106 = vector.broadcast %add3A_105 : i32 to vector<16xi32>
    %add3A_107 = arith.addi %iota3A, %add3A_106 : vector<16xi32>
    %mul3A_108 = arith.constant 1000 : i32
    %mul3A_109 = vector.broadcast %mul3A_108 : i32 to vector<16xi32>
    %mul3A_110 = arith.muli %add3A_107, %mul3A_109 : vector<16xi32>
    %add3A_111 = arith.addi %mul3A_110, %get3A_104 : vector<16xi32>
    %add3A_112 = arith.constant 64000 : i32
    %add3A_113 = vector.broadcast %add3A_112 : i32 to vector<16xi32>
    %add3A_114 = arith.addi %add3A_111, %add3A_113 : vector<16xi32>
    tpu.vector_store_idx %arg5[%add3A_114], %broadcast_in_dim3A_8 : memref<128000xf32, #tpu.memory_space<vmem>>[vector<16xi32>], vector<16xf32>,
    %add3A_115 = arith.constant 64 : i32
    %add3A_116 = arith.addi %mul3A_2, %add3A_115 : i32
    %mul3A_117 = arith.constant 1000 : i32
    %mul3A_118 = arith.muli %add3A_116, %mul3A_117 : i32
    %dma_start3A_119 = arith.constant 64000 : i32
    %dma_start3A_120 = tpu.memref_slice %arg5[%dma_start3A_119] : memref<128000xf32, #tpu.memory_space<vmem>> -> memref<64000xf32, #tpu.memory_space<vmem>>
    %dma_start3A_121 = tpu.memref_slice %arg3[%mul3A_118] : memref<16384000xf32, #tpu.memory_space<hbm>> -> memref<64000xf32, #tpu.memory_space<hbm>>
    %dma_start3A_122 = tpu.memref_slice %arg3[%mul3A_118] : memref<16384000xf32, #tpu.memory_space<hbm>> -> memref<64000xf32, #tpu.memory_space<hbm>>
    %dma_start3A_123 = arith.constant 64000 : i32
    %dma_start3A_124 = tpu.memref_slice %arg5[%dma_start3A_123] : memref<128000xf32, #tpu.memory_space<vmem>> -> memref<64000xf32, #tpu.memory_space<vmem>>
    tpu.enqueue_dma source(%dma_start3A_124 : memref<64000xf32, #tpu.memory_space<vmem>>) target(%dma_start3A_122 : memref<64000xf32, #tpu.memory_space<hbm>>) target_semaphore(%arg7 : memref<!tpu.dma_semaphore, #tpu.memory_space<semaphore_mem>>)
    %dma_wait3A = arith.constant 0 : i32
    %dma_wait3A_125 = tpu.memref_slice %arg5[%dma_wait3A] : memref<128000xf32, #tpu.memory_space<vmem>> -> memref<64000xf32, #tpu.memory_space<vmem>>
    %dma_wait3A_126 = tpu.memref_slice %arg3[%mul3A_61] : memref<16384000xf32, #tpu.memory_space<hbm>> -> memref<64000xf32, #tpu.memory_space<hbm>>
    %dma_wait3A_127 = tpu.memref_slice %arg3[%mul3A_61] : memref<16384000xf32, #tpu.memory_space<hbm>> -> memref<64000xf32, #tpu.memory_space<hbm>>
    %dma_wait3A_128 = arith.constant 0 : i32
    %dma_wait3A_129 = tpu.memref_slice %arg5[%dma_wait3A_128] : memref<128000xf32, #tpu.memory_space<vmem>> -> memref<64000xf32, #tpu.memory_space<vmem>>
    tpu.wait_dma2 semaphore(%arg6 : memref<!tpu.dma_semaphore, #tpu.memory_space<semaphore_mem>>) src(%dma_wait3A_129 : memref<64000xf32, #tpu.memory_space<vmem>>) dst(%dma_wait3A_127 : memref<64000xf32, #tpu.memory_space<hbm>>)
    %get3A_130 = arith.constant 0 : index
    %get3A_131 = tpu.vector_load %arg4[%get3A_130] {strides = array<i32>} : memref<512xi32, #tpu.memory_space<vmem>>, vector<16xi32>,
    %add3A_132 = arith.constant 0 : i32
    %add3A_133 = vector.broadcast %add3A_132 : i32 to vector<16xi32>
    %add3A_134 = arith.addi %iota3A, %add3A_133 : vector<16xi32>
    %mul3A_135 = arith.constant 1000 : i32
    %mul3A_136 = vector.broadcast %mul3A_135 : i32 to vector<16xi32>
    %mul3A_137 = arith.muli %add3A_134, %mul3A_136 : vector<16xi32>
    %add3A_138 = arith.addi %mul3A_137, %get3A_131 : vector<16xi32>
    %add3A_139 = arith.constant 0 : i32
    %add3A_140 = vector.broadcast %add3A_139 : i32 to vector<16xi32>
    %add3A_141 = arith.addi %add3A_138, %add3A_140 : vector<16xi32>
    tpu.vector_store_idx %arg5[%add3A_141], %broadcast_in_dim3A_10 : memref<128000xf32, #tpu.memory_space<vmem>>[vector<16xi32>], vector<16xf32>,
    %get3A_142 = arith.constant 16 : index
    %get3A_143 = tpu.vector_load %arg4[%get3A_142] {strides = array<i32>} : memref<512xi32, #tpu.memory_space<vmem>>, vector<16xi32>,
    %add3A_144 = arith.constant 16 : i32
    %add3A_145 = vector.broadcast %add3A_144 : i32 to vector<16xi32>
    %add3A_146 = arith.addi %iota3A, %add3A_145 : vector<16xi32>
    %mul3A_147 = arith.constant 1000 : i32
    %mul3A_148 = vector.broadcast %mul3A_147 : i32 to vector<16xi32>
    %mul3A_149 = arith.muli %add3A_146, %mul3A_148 : vector<16xi32>
    %add3A_150 = arith.addi %mul3A_149, %get3A_143 : vector<16xi32>
    %add3A_151 = arith.constant 0 : i32
    %add3A_152 = vector.broadcast %add3A_151 : i32 to vector<16xi32>
    %add3A_153 = arith.addi %add3A_150, %add3A_152 : vector<16xi32>
    tpu.vector_store_idx %arg5[%add3A_153], %broadcast_in_dim3A_10 : memref<128000xf32, #tpu.memory_space<vmem>>[vector<16xi32>], vector<16xf32>,
    %get3A_154 = arith.constant 32 : index
    %get3A_155 = tpu.vector_load %arg4[%get3A_154] {strides = array<i32>} : memref<512xi32, #tpu.memory_space<vmem>>, vector<16xi32>,
    %add3A_156 = arith.constant 32 : i32
    %add3A_157 = vector.broadcast %add3A_156 : i32 to vector<16xi32>
    %add3A_158 = arith.addi %iota3A, %add3A_157 : vector<16xi32>
    %mul3A_159 = arith.constant 1000 : i32
    %mul3A_160 = vector.broadcast %mul3A_159 : i32 to vector<16xi32>
    %mul3A_161 = arith.muli %add3A_158, %mul3A_160 : vector<16xi32>
    %add3A_162 = arith.addi %mul3A_161, %get3A_155 : vector<16xi32>
    %add3A_163 = arith.constant 0 : i32
    %add3A_164 = vector.broadcast %add3A_163 : i32 to vector<16xi32>
    %add3A_165 = arith.addi %add3A_162, %add3A_164 : vector<16xi32>
    tpu.vector_store_idx %arg5[%add3A_165], %broadcast_in_dim3A_10 : memref<128000xf32, #tpu.memory_space<vmem>>[vector<16xi32>], vector<16xf32>,
    %get3A_166 = arith.constant 48 : index
    %get3A_167 = tpu.vector_load %arg4[%get3A_166] {strides = array<i32>} : memref<512xi32, #tpu.memory_space<vmem>>, vector<16xi32>,
    %add3A_168 = arith.constant 48 : i32
    %add3A_169 = vector.broadcast %add3A_168 : i32 to vector<16xi32>
    %add3A_170 = arith.addi %iota3A, %add3A_169 : vector<16xi32>
    %mul3A_171 = arith.constant 1000 : i32
    %mul3A_172 = vector.broadcast %mul3A_171 : i32 to vector<16xi32>
    %mul3A_173 = arith.muli %add3A_170, %mul3A_172 : vector<16xi32>
    %add3A_174 = arith.addi %mul3A_173, %get3A_167 : vector<16xi32>
    %add3A_175 = arith.constant 0 : i32
    %add3A_176 = vector.broadcast %add3A_175 : i32 to vector<16xi32>
    %add3A_177 = arith.addi %add3A_174, %add3A_176 : vector<16xi32>
    tpu.vector_store_idx %arg5[%add3A_177], %broadcast_in_dim3A_10 : memref<128000xf32, #tpu.memory_space<vmem>>[vector<16xi32>], vector<16xf32>,
    %get3A_178 = arith.constant 128 : index
    %get3A_179 = tpu.vector_load %arg4[%get3A_178] {strides = array<i32>} : memref<512xi32, #tpu.memory_space<vmem>>, vector<16xi32>,
    %add3A_180 = arith.constant 0 : i32
    %add3A_181 = vector.broadcast %add3A_180 : i32 to vector<16xi32>
    %add3A_182 = arith.addi %iota3A, %add3A_181 : vector<16xi32>
    %mul3A_183 = arith.constant 1000 : i32
    %mul3A_184 = vector.broadcast %mul3A_183 : i32 to vector<16xi32>
    %mul3A_185 = arith.muli %add3A_182, %mul3A_184 : vector<16xi32>
    %add3A_186 = arith.addi %mul3A_185, %get3A_179 : vector<16xi32>
    %add3A_187 = arith.constant 0 : i32
    %add3A_188 = vector.broadcast %add3A_187 : i32 to vector<16xi32>
    %add3A_189 = arith.addi %add3A_186, %add3A_188 : vector<16xi32>
    tpu.vector_store_idx %arg5[%add3A_189], %broadcast_in_dim3A_8 : memref<128000xf32, #tpu.memory_space<vmem>>[vector<16xi32>], vector<16xf32>,
    %get3A_190 = arith.constant 144 : index
    %get3A_191 = tpu.vector_load %arg4[%get3A_190] {strides = array<i32>} : memref<512xi32, #tpu.memory_space<vmem>>, vector<16xi32>,
    %add3A_192 = arith.constant 16 : i32
    %add3A_193 = vector.broadcast %add3A_192 : i32 to vector<16xi32>
    %add3A_194 = arith.addi %iota3A, %add3A_193 : vector<16xi32>
    %mul3A_195 = arith.constant 1000 : i32
    %mul3A_196 = vector.broadcast %mul3A_195 : i32 to vector<16xi32>
    %mul3A_197 = arith.muli %add3A_194, %mul3A_196 : vector<16xi32>
    %add3A_198 = arith.addi %mul3A_197, %get3A_191 : vector<16xi32>
    %add3A_199 = arith.constant 0 : i32
    %add3A_200 = vector.broadcast %add3A_199 : i32 to vector<16xi32>
    %add3A_201 = arith.addi %add3A_198, %add3A_200 : vector<16xi32>
    tpu.vector_store_idx %arg5[%add3A_201], %broadcast_in_dim3A_8 : memref<128000xf32, #tpu.memory_space<vmem>>[vector<16xi32>], vector<16xf32>,
    %get3A_202 = arith.constant 160 : index
    %get3A_203 = tpu.vector_load %arg4[%get3A_202] {strides = array<i32>} : memref<512xi32, #tpu.memory_space<vmem>>, vector<16xi32>,
    %add3A_204 = arith.constant 32 : i32
    %add3A_205 = vector.broadcast %add3A_204 : i32 to vector<16xi32>
    %add3A_206 = arith.addi %iota3A, %add3A_205 : vector<16xi32>
    %mul3A_207 = arith.constant 1000 : i32
    %mul3A_208 = vector.broadcast %mul3A_207 : i32 to vector<16xi32>
    %mul3A_209 = arith.muli %add3A_206, %mul3A_208 : vector<16xi32>
    %add3A_210 = arith.addi %mul3A_209, %get3A_203 : vector<16xi32>
    %add3A_211 = arith.constant 0 : i32
    %add3A_212 = vector.broadcast %add3A_211 : i32 to vector<16xi32>
    %add3A_213 = arith.addi %add3A_210, %add3A_212 : vector<16xi32>
    tpu.vector_store_idx %arg5[%add3A_213], %broadcast_in_dim3A_8 : memref<128000xf32, #tpu.memory_space<vmem>>[vector<16xi32>], vector<16xf32>,
    %get3A_214 = arith.constant 176 : index
    %get3A_215 = tpu.vector_load %arg4[%get3A_214] {strides = array<i32>} : memref<512xi32, #tpu.memory_space<vmem>>, vector<16xi32>,
    %add3A_216 = arith.constant 48 : i32
    %add3A_217 = vector.broadcast %add3A_216 : i32 to vector<16xi32>
    %add3A_218 = arith.addi %iota3A, %add3A_217 : vector<16xi32>
    %mul3A_219 = arith.constant 1000 : i32
    %mul3A_220 = vector.broadcast %mul3A_219 : i32 to vector<16xi32>
    %mul3A_221 = arith.muli %add3A_218, %mul3A_220 : vector<16xi32>
    %add3A_222 = arith.addi %mul3A_221, %get3A_215 : vector<16xi32>
    %add3A_223 = arith.constant 0 : i32
    %add3A_224 = vector.broadcast %add3A_223 : i32 to vector<16xi32>
    %add3A_225 = arith.addi %add3A_222, %add3A_224 : vector<16xi32>
    tpu.vector_store_idx %arg5[%add3A_225], %broadcast_in_dim3A_8 : memref<128000xf32, #tpu.memory_space<vmem>>[vector<16xi32>], vector<16xf32>,
    %add3A_226 = arith.constant 128 : i32
    %add3A_227 = arith.addi %mul3A_2, %add3A_226 : i32
    %mul3A_228 = arith.constant 1000 : i32
    %mul3A_229 = arith.muli %add3A_227, %mul3A_228 : i32
    %dma_start3A_230 = arith.constant 0 : i32
    %dma_start3A_231 = tpu.memref_slice %arg5[%dma_start3A_230] : memref<128000xf32, #tpu.memory_space<vmem>> -> memref<64000xf32, #tpu.memory_space<vmem>>
    %dma_start3A_232 = tpu.memref_slice %arg3[%mul3A_229] : memref<16384000xf32, #tpu.memory_space<hbm>> -> memref<64000xf32, #tpu.memory_space<hbm>>
    %dma_start3A_233 = tpu.memref_slice %arg3[%mul3A_229] : memref<16384000xf32, #tpu.memory_space<hbm>> -> memref<64000xf32, #tpu.memory_space<hbm>>
    %dma_start3A_234 = arith.constant 0 : i32
    %dma_start3A_235 = tpu.memref_slice %arg5[%dma_start3A_234] : memref<128000xf32, #tpu.memory_space<vmem>> -> memref<64000xf32, #tpu.memory_space<vmem>>
    tpu.enqueue_dma source(%dma_start3A_235 : memref<64000xf32, #tpu.memory_space<vmem>>) target(%dma_start3A_233 : memref<64000xf32, #tpu.memory_space<hbm>>) target_semaphore(%arg6 : memref<!tpu.dma_semaphore, #tpu.memory_space<semaphore_mem>>)
    %dma_wait3A_236 = arith.constant 64000 : i32
    %dma_wait3A_237 = tpu.memref_slice %arg5[%dma_wait3A_236] : memref<128000xf32, #tpu.memory_space<vmem>> -> memref<64000xf32, #tpu.memory_space<vmem>>
    %dma_wait3A_238 = tpu.memref_slice %arg3[%mul3A_118] : memref<16384000xf32, #tpu.memory_space<hbm>> -> memref<64000xf32, #tpu.memory_space<hbm>>
    %dma_wait3A_239 = tpu.memref_slice %arg3[%mul3A_118] : memref<16384000xf32, #tpu.memory_space<hbm>> -> memref<64000xf32, #tpu.memory_space<hbm>>
    %dma_wait3A_240 = arith.constant 64000 : i32
    %dma_wait3A_241 = tpu.memref_slice %arg5[%dma_wait3A_240] : memref<128000xf32, #tpu.memory_space<vmem>> -> memref<64000xf32, #tpu.memory_space<vmem>>
    tpu.wait_dma2 semaphore(%arg7 : memref<!tpu.dma_semaphore, #tpu.memory_space<semaphore_mem>>) src(%dma_wait3A_241 : memref<64000xf32, #tpu.memory_space<vmem>>) dst(%dma_wait3A_239 : memref<64000xf32, #tpu.memory_space<hbm>>)
    %get3A_242 = arith.constant 64 : index
    %get3A_243 = tpu.vector_load %arg4[%get3A_242] {strides = array<i32>} : memref<512xi32, #tpu.memory_space<vmem>>, vector<16xi32>,
    %add3A_244 = arith.constant 0 : i32
    %add3A_245 = vector.broadcast %add3A_244 : i32 to vector<16xi32>
    %add3A_246 = arith.addi %iota3A, %add3A_245 : vector<16xi32>
    %mul3A_247 = arith.constant 1000 : i32
    %mul3A_248 = vector.broadcast %mul3A_247 : i32 to vector<16xi32>
    %mul3A_249 = arith.muli %add3A_246, %mul3A_248 : vector<16xi32>
    %add3A_250 = arith.addi %mul3A_249, %get3A_243 : vector<16xi32>
    %add3A_251 = arith.constant 64000 : i32
    %add3A_252 = vector.broadcast %add3A_251 : i32 to vector<16xi32>
    %add3A_253 = arith.addi %add3A_250, %add3A_252 : vector<16xi32>
    tpu.vector_store_idx %arg5[%add3A_253], %broadcast_in_dim3A_10 : memref<128000xf32, #tpu.memory_space<vmem>>[vector<16xi32>], vector<16xf32>,
    %get3A_254 = arith.constant 80 : index
    %get3A_255 = tpu.vector_load %arg4[%get3A_254] {strides = array<i32>} : memref<512xi32, #tpu.memory_space<vmem>>, vector<16xi32>,
    %add3A_256 = arith.constant 16 : i32
    %add3A_257 = vector.broadcast %add3A_256 : i32 to vector<16xi32>
    %add3A_258 = arith.addi %iota3A, %add3A_257 : vector<16xi32>
    %mul3A_259 = arith.constant 1000 : i32
    %mul3A_260 = vector.broadcast %mul3A_259 : i32 to vector<16xi32>
    %mul3A_261 = arith.muli %add3A_258, %mul3A_260 : vector<16xi32>
    %add3A_262 = arith.addi %mul3A_261, %get3A_255 : vector<16xi32>
    %add3A_263 = arith.constant 64000 : i32
    %add3A_264 = vector.broadcast %add3A_263 : i32 to vector<16xi32>
    %add3A_265 = arith.addi %add3A_262, %add3A_264 : vector<16xi32>
    tpu.vector_store_idx %arg5[%add3A_265], %broadcast_in_dim3A_10 : memref<128000xf32, #tpu.memory_space<vmem>>[vector<16xi32>], vector<16xf32>,
    %get3A_266 = arith.constant 96 : index
    %get3A_267 = tpu.vector_load %arg4[%get3A_266] {strides = array<i32>} : memref<512xi32, #tpu.memory_space<vmem>>, vector<16xi32>,
    %add3A_268 = arith.constant 32 : i32
    %add3A_269 = vector.broadcast %add3A_268 : i32 to vector<16xi32>
    %add3A_270 = arith.addi %iota3A, %add3A_269 : vector<16xi32>
    %mul3A_271 = arith.constant 1000 : i32
    %mul3A_272 = vector.broadcast %mul3A_271 : i32 to vector<16xi32>
    %mul3A_273 = arith.muli %add3A_270, %mul3A_272 : vector<16xi32>
    %add3A_274 = arith.addi %mul3A_273, %get3A_267 : vector<16xi32>
    %add3A_275 = arith.constant 64000 : i32
    %add3A_276 = vector.broadcast %add3A_275 : i32 to vector<16xi32>
    %add3A_277 = arith.addi %add3A_274, %add3A_276 : vector<16xi32>
    tpu.vector_store_idx %arg5[%add3A_277], %broadcast_in_dim3A_10 : memref<128000xf32, #tpu.memory_space<vmem>>[vector<16xi32>], vector<16xf32>,
    %get3A_278 = arith.constant 112 : index
    %get3A_279 = tpu.vector_load %arg4[%get3A_278] {strides = array<i32>} : memref<512xi32, #tpu.memory_space<vmem>>, vector<16xi32>,
    %add3A_280 = arith.constant 48 : i32
    %add3A_281 = vector.broadcast %add3A_280 : i32 to vector<16xi32>
    %add3A_282 = arith.addi %iota3A, %add3A_281 : vector<16xi32>
    %mul3A_283 = arith.constant 1000 : i32
    %mul3A_284 = vector.broadcast %mul3A_283 : i32 to vector<16xi32>
    %mul3A_285 = arith.muli %add3A_282, %mul3A_284 : vector<16xi32>
    %add3A_286 = arith.addi %mul3A_285, %get3A_279 : vector<16xi32>
    %add3A_287 = arith.constant 64000 : i32
    %add3A_288 = vector.broadcast %add3A_287 : i32 to vector<16xi32>
    %add3A_289 = arith.addi %add3A_286, %add3A_288 : vector<16xi32>
    tpu.vector_store_idx %arg5[%add3A_289], %broadcast_in_dim3A_10 : memref<128000xf32, #tpu.memory_space<vmem>>[vector<16xi32>], vector<16xf32>,
    %get3A_290 = arith.constant 192 : index
    %get3A_291 = tpu.vector_load %arg4[%get3A_290] {strides = array<i32>} : memref<512xi32, #tpu.memory_space<vmem>>, vector<16xi32>,
    %add3A_292 = arith.constant 0 : i32
    %add3A_293 = vector.broadcast %add3A_292 : i32 to vector<16xi32>
    %add3A_294 = arith.addi %iota3A, %add3A_293 : vector<16xi32>
    %mul3A_295 = arith.constant 1000 : i32
    %mul3A_296 = vector.broadcast %mul3A_295 : i32 to vector<16xi32>
    %mul3A_297 = arith.muli %add3A_294, %mul3A_296 : vector<16xi32>
    %add3A_298 = arith.addi %mul3A_297, %get3A_291 : vector<16xi32>
    %add3A_299 = arith.constant 64000 : i32
    %add3A_300 = vector.broadcast %add3A_299 : i32 to vector<16xi32>
    %add3A_301 = arith.addi %add3A_298, %add3A_300 : vector<16xi32>
    tpu.vector_store_idx %arg5[%add3A_301], %broadcast_in_dim3A_8 : memref<128000xf32, #tpu.memory_space<vmem>>[vector<16xi32>], vector<16xf32>,
    %get3A_302 = arith.constant 208 : index
    %get3A_303 = tpu.vector_load %arg4[%get3A_302] {strides = array<i32>} : memref<512xi32, #tpu.memory_space<vmem>>, vector<16xi32>,
    %add3A_304 = arith.constant 16 : i32
    %add3A_305 = vector.broadcast %add3A_304 : i32 to vector<16xi32>
    %add3A_306 = arith.addi %iota3A, %add3A_305 : vector<16xi32>
    %mul3A_307 = arith.constant 1000 : i32
    %mul3A_308 = vector.broadcast %mul3A_307 : i32 to vector<16xi32>
    %mul3A_309 = arith.muli %add3A_306, %mul3A_308 : vector<16xi32>
    %add3A_310 = arith.addi %mul3A_309, %get3A_303 : vector<16xi32>
    %add3A_311 = arith.constant 64000 : i32
    %add3A_312 = vector.broadcast %add3A_311 : i32 to vector<16xi32>
    %add3A_313 = arith.addi %add3A_310, %add3A_312 : vector<16xi32>
    tpu.vector_store_idx %arg5[%add3A_313], %broadcast_in_dim3A_8 : memref<128000xf32, #tpu.memory_space<vmem>>[vector<16xi32>], vector<16xf32>,
    %get3A_314 = arith.constant 224 : index
    %get3A_315 = tpu.vector_load %arg4[%get3A_314] {strides = array<i32>} : memref<512xi32, #tpu.memory_space<vmem>>, vector<16xi32>,
    %add3A_316 = arith.constant 32 : i32
    %add3A_317 = vector.broadcast %add3A_316 : i32 to vector<16xi32>
    %add3A_318 = arith.addi %iota3A, %add3A_317 : vector<16xi32>
    %mul3A_319 = arith.constant 1000 : i32
    %mul3A_320 = vector.broadcast %mul3A_319 : i32 to vector<16xi32>
    %mul3A_321 = arith.muli %add3A_318, %mul3A_320 : vector<16xi32>
    %add3A_322 = arith.addi %mul3A_321, %get3A_315 : vector<16xi32>
    %add3A_323 = arith.constant 64000 : i32
    %add3A_324 = vector.broadcast %add3A_323 : i32 to vector<16xi32>
    %add3A_325 = arith.addi %add3A_322, %add3A_324 : vector<16xi32>
    tpu.vector_store_idx %arg5[%add3A_325], %broadcast_in_dim3A_8 : memref<128000xf32, #tpu.memory_space<vmem>>[vector<16xi32>], vector<16xf32>,
    %get3A_326 = arith.constant 240 : index
    %get3A_327 = tpu.vector_load %arg4[%get3A_326] {strides = array<i32>} : memref<512xi32, #tpu.memory_space<vmem>>, vector<16xi32>,
    %add3A_328 = arith.constant 48 : i32
    %add3A_329 = vector.broadcast %add3A_328 : i32 to vector<16xi32>
    %add3A_330 = arith.addi %iota3A, %add3A_329 : vector<16xi32>
    %mul3A_331 = arith.constant 1000 : i32
    %mul3A_332 = vector.broadcast %mul3A_331 : i32 to vector<16xi32>
    %mul3A_333 = arith.muli %add3A_330, %mul3A_332 : vector<16xi32>
    %add3A_334 = arith.addi %mul3A_333, %get3A_327 : vector<16xi32>
    %add3A_335 = arith.constant 64000 : i32
    %add3A_336 = vector.broadcast %add3A_335 : i32 to vector<16xi32>
    %add3A_337 = arith.addi %add3A_334, %add3A_336 : vector<16xi32>
    tpu.vector_store_idx %arg5[%add3A_337], %broadcast_in_dim3A_8 : memref<128000xf32, #tpu.memory_space<vmem>>[vector<16xi32>], vector<16xf32>,
    %add3A_338 = arith.constant 192 : i32
    %add3A_339 = arith.addi %mul3A_2, %add3A_338 : i32
    %mul3A_340 = arith.constant 1000 : i32
    %mul3A_341 = arith.muli %add3A_339, %mul3A_340 : i32
    %dma_start3A_342 = arith.constant 64000 : i32
    %dma_start3A_343 = tpu.memref_slice %arg5[%dma_start3A_342] : memref<128000xf32, #tpu.memory_space<vmem>> -> memref<64000xf32, #tpu.memory_space<vmem>>
    %dma_start3A_344 = tpu.memref_slice %arg3[%mul3A_341] : memref<16384000xf32, #tpu.memory_space<hbm>> -> memref<64000xf32, #tpu.memory_space<hbm>>
    %dma_start3A_345 = tpu.memref_slice %arg3[%mul3A_341] : memref<16384000xf32, #tpu.memory_space<hbm>> -> memref<64000xf32, #tpu.memory_space<hbm>>
    %dma_start3A_346 = arith.constant 64000 : i32
    %dma_start3A_347 = tpu.memref_slice %arg5[%dma_start3A_346] : memref<128000xf32, #tpu.memory_space<vmem>> -> memref<64000xf32, #tpu.memory_space<vmem>>
    tpu.enqueue_dma source(%dma_start3A_347 : memref<64000xf32, #tpu.memory_space<vmem>>) target(%dma_start3A_345 : memref<64000xf32, #tpu.memory_space<hbm>>) target_semaphore(%arg7 : memref<!tpu.dma_semaphore, #tpu.memory_space<semaphore_mem>>)
    %dma_wait3A_348 = arith.constant 0 : i32
    %dma_wait3A_349 = tpu.memref_slice %arg5[%dma_wait3A_348] : memref<128000xf32, #tpu.memory_space<vmem>> -> memref<64000xf32, #tpu.memory_space<vmem>>
    %dma_wait3A_350 = tpu.memref_slice %arg3[%mul3A_229] : memref<16384000xf32, #tpu.memory_space<hbm>> -> memref<64000xf32, #tpu.memory_space<hbm>>
    %dma_wait3A_351 = tpu.memref_slice %arg3[%mul3A_229] : memref<16384000xf32, #tpu.memory_space<hbm>> -> memref<64000xf32, #tpu.memory_space<hbm>>
    %dma_wait3A_352 = arith.constant 0 : i32
    %dma_wait3A_353 = tpu.memref_slice %arg5[%dma_wait3A_352] : memref<128000xf32, #tpu.memory_space<vmem>> -> memref<64000xf32, #tpu.memory_space<vmem>>
    tpu.wait_dma2 semaphore(%arg6 : memref<!tpu.dma_semaphore, #tpu.memory_space<semaphore_mem>>) src(%dma_wait3A_353 : memref<64000xf32, #tpu.memory_space<vmem>>) dst(%dma_wait3A_351 : memref<64000xf32, #tpu.memory_space<hbm>>)
    %get3A_354 = arith.constant 128 : index
    %get3A_355 = tpu.vector_load %arg4[%get3A_354] {strides = array<i32>} : memref<512xi32, #tpu.memory_space<vmem>>, vector<16xi32>,
    %add3A_356 = arith.constant 0 : i32
    %add3A_357 = vector.broadcast %add3A_356 : i32 to vector<16xi32>
    %add3A_358 = arith.addi %iota3A, %add3A_357 : vector<16xi32>
    %mul3A_359 = arith.constant 1000 : i32
    %mul3A_360 = vector.broadcast %mul3A_359 : i32 to vector<16xi32>
    %mul3A_361 = arith.muli %add3A_358, %mul3A_360 : vector<16xi32>
    %add3A_362 = arith.addi %mul3A_361, %get3A_355 : vector<16xi32>
    %add3A_363 = arith.constant 0 : i32
    %add3A_364 = vector.broadcast %add3A_363 : i32 to vector<16xi32>
    %add3A_365 = arith.addi %add3A_362, %add3A_364 : vector<16xi32>
    tpu.vector_store_idx %arg5[%add3A_365], %broadcast_in_dim3A_10 : memref<128000xf32, #tpu.memory_space<vmem>>[vector<16xi32>], vector<16xf32>,
    %get3A_366 = arith.constant 144 : index
    %get3A_367 = tpu.vector_load %arg4[%get3A_366] {strides = array<i32>} : memref<512xi32, #tpu.memory_space<vmem>>, vector<16xi32>,
    %add3A_368 = arith.constant 16 : i32
    %add3A_369 = vector.broadcast %add3A_368 : i32 to vector<16xi32>
    %add3A_370 = arith.addi %iota3A, %add3A_369 : vector<16xi32>
    %mul3A_371 = arith.constant 1000 : i32
    %mul3A_372 = vector.broadcast %mul3A_371 : i32 to vector<16xi32>
    %mul3A_373 = arith.muli %add3A_370, %mul3A_372 : vector<16xi32>
    %add3A_374 = arith.addi %mul3A_373, %get3A_367 : vector<16xi32>
    %add3A_375 = arith.constant 0 : i32
    %add3A_376 = vector.broadcast %add3A_375 : i32 to vector<16xi32>
    %add3A_377 = arith.addi %add3A_374, %add3A_376 : vector<16xi32>
    tpu.vector_store_idx %arg5[%add3A_377], %broadcast_in_dim3A_10 : memref<128000xf32, #tpu.memory_space<vmem>>[vector<16xi32>], vector<16xf32>,
    %get3A_378 = arith.constant 160 : index
    %get3A_379 = tpu.vector_load %arg4[%get3A_378] {strides = array<i32>} : memref<512xi32, #tpu.memory_space<vmem>>, vector<16xi32>,
    %add3A_380 = arith.constant 32 : i32
    %add3A_381 = vector.broadcast %add3A_380 : i32 to vector<16xi32>
    %add3A_382 = arith.addi %iota3A, %add3A_381 : vector<16xi32>
    %mul3A_383 = arith.constant 1000 : i32
    %mul3A_384 = vector.broadcast %mul3A_383 : i32 to vector<16xi32>
    %mul3A_385 = arith.muli %add3A_382, %mul3A_384 : vector<16xi32>
    %add3A_386 = arith.addi %mul3A_385, %get3A_379 : vector<16xi32>
    %add3A_387 = arith.constant 0 : i32
    %add3A_388 = vector.broadcast %add3A_387 : i32 to vector<16xi32>
    %add3A_389 = arith.addi %add3A_386, %add3A_388 : vector<16xi32>
    tpu.vector_store_idx %arg5[%add3A_389], %broadcast_in_dim3A_10 : memref<128000xf32, #tpu.memory_space<vmem>>[vector<16xi32>], vector<16xf32>,
    %get3A_390 = arith.constant 176 : index
    %get3A_391 = tpu.vector_load %arg4[%get3A_390] {strides = array<i32>} : memref<512xi32, #tpu.memory_space<vmem>>, vector<16xi32>,
    %add3A_392 = arith.constant 48 : i32
    %add3A_393 = vector.broadcast %add3A_392 : i32 to vector<16xi32>
    %add3A_394 = arith.addi %iota3A, %add3A_393 : vector<16xi32>
    %mul3A_395 = arith.constant 1000 : i32
    %mul3A_396 = vector.broadcast %mul3A_395 : i32 to vector<16xi32>
    %mul3A_397 = arith.muli %add3A_394, %mul3A_396 : vector<16xi32>
    %add3A_398 = arith.addi %mul3A_397, %get3A_391 : vector<16xi32>
    %add3A_399 = arith.constant 0 : i32
    %add3A_400 = vector.broadcast %add3A_399 : i32 to vector<16xi32>
    %add3A_401 = arith.addi %add3A_398, %add3A_400 : vector<16xi32>
    tpu.vector_store_idx %arg5[%add3A_401], %broadcast_in_dim3A_10 : memref<128000xf32, #tpu.memory_space<vmem>>[vector<16xi32>], vector<16xf32>,
    %get3A_402 = arith.constant 256 : index
    %get3A_403 = tpu.vector_load %arg4[%get3A_402] {strides = array<i32>} : memref<512xi32, #tpu.memory_space<vmem>>, vector<16xi32>,
    %add3A_404 = arith.constant 0 : i32
    %add3A_405 = vector.broadcast %add3A_404 : i32 to vector<16xi32>
    %add3A_406 = arith.addi %iota3A, %add3A_405 : vector<16xi32>
    %mul3A_407 = arith.constant 1000 : i32
    %mul3A_408 = vector.broadcast %mul3A_407 : i32 to vector<16xi32>
    %mul3A_409 = arith.muli %add3A_406, %mul3A_408 : vector<16xi32>
    %add3A_410 = arith.addi %mul3A_409, %get3A_403 : vector<16xi32>
    %add3A_411 = arith.constant 0 : i32
    %add3A_412 = vector.broadcast %add3A_411 : i32 to vector<16xi32>
    %add3A_413 = arith.addi %add3A_410, %add3A_412 : vector<16xi32>
    tpu.vector_store_idx %arg5[%add3A_413], %broadcast_in_dim3A_8 : memref<128000xf32, #tpu.memory_space<vmem>>[vector<16xi32>], vector<16xf32>,
    %get3A_414 = arith.constant 272 : index
    %get3A_415 = tpu.vector_load %arg4[%get3A_414] {strides = array<i32>} : memref<512xi32, #tpu.memory_space<vmem>>, vector<16xi32>,
    %add3A_416 = arith.constant 16 : i32
    %add3A_417 = vector.broadcast %add3A_416 : i32 to vector<16xi32>
    %add3A_418 = arith.addi %iota3A, %add3A_417 : vector<16xi32>
    %mul3A_419 = arith.constant 1000 : i32
    %mul3A_420 = vector.broadcast %mul3A_419 : i32 to vector<16xi32>
    %mul3A_421 = arith.muli %add3A_418, %mul3A_420 : vector<16xi32>
    %add3A_422 = arith.addi %mul3A_421, %get3A_415 : vector<16xi32>
    %add3A_423 = arith.constant 0 : i32
    %add3A_424 = vector.broadcast %add3A_423 : i32 to vector<16xi32>
    %add3A_425 = arith.addi %add3A_422, %add3A_424 : vector<16xi32>
    tpu.vector_store_idx %arg5[%add3A_425], %broadcast_in_dim3A_8 : memref<128000xf32, #tpu.memory_space<vmem>>[vector<16xi32>], vector<16xf32>,
    %get3A_426 = arith.constant 288 : index
    %get3A_427 = tpu.vector_load %arg4[%get3A_426] {strides = array<i32>} : memref<512xi32, #tpu.memory_space<vmem>>, vector<16xi32>,
    %add3A_428 = arith.constant 32 : i32
    %add3A_429 = vector.broadcast %add3A_428 : i32 to vector<16xi32>
    %add3A_430 = arith.addi %iota3A, %add3A_429 : vector<16xi32>
    %mul3A_431 = arith.constant 1000 : i32
    %mul3A_432 = vector.broadcast %mul3A_431 : i32 to vector<16xi32>
    %mul3A_433 = arith.muli %add3A_430, %mul3A_432 : vector<16xi32>
    %add3A_434 = arith.addi %mul3A_433, %get3A_427 : vector<16xi32>
    %add3A_435 = arith.constant 0 : i32
    %add3A_436 = vector.broadcast %add3A_435 : i32 to vector<16xi32>
    %add3A_437 = arith.addi %add3A_434, %add3A_436 : vector<16xi32>
    tpu.vector_store_idx %arg5[%add3A_437], %broadcast_in_dim3A_8 : memref<128000xf32, #tpu.memory_space<vmem>>[vector<16xi32>], vector<16xf32>,
    %get3A_438 = arith.constant 304 : index
    %get3A_439 = tpu.vector_load %arg4[%get3A_438] {strides = array<i32>} : memref<512xi32, #tpu.memory_space<vmem>>, vector<16xi32>,
    %add3A_440 = arith.constant 48 : i32
    %add3A_441 = vector.broadcast %add3A_440 : i32 to vector<16xi32>
    %add3A_442 = arith.addi %iota3A, %add3A_441 : vector<16xi32>
    %mul3A_443 = arith.constant 1000 : i32
    %mul3A_444 = vector.broadcast %mul3A_443 : i32 to vector<16xi32>
    %mul3A_445 = arith.muli %add3A_442, %mul3A_444 : vector<16xi32>
    %add3A_446 = arith.addi %mul3A_445, %get3A_439 : vector<16xi32>
    %add3A_447 = arith.constant 0 : i32
    %add3A_448 = vector.broadcast %add3A_447 : i32 to vector<16xi32>
    %add3A_449 = arith.addi %add3A_446, %add3A_448 : vector<16xi32>
    tpu.vector_store_idx %arg5[%add3A_449], %broadcast_in_dim3A_8 : memref<128000xf32, #tpu.memory_space<vmem>>[vector<16xi32>], vector<16xf32>,
    %add3A_450 = arith.constant 256 : i32
    %add3A_451 = arith.addi %mul3A_2, %add3A_450 : i32
    %mul3A_452 = arith.constant 1000 : i32
    %mul3A_453 = arith.muli %add3A_451, %mul3A_452 : i32
    %dma_start3A_454 = arith.constant 0 : i32
    %dma_start3A_455 = tpu.memref_slice %arg5[%dma_start3A_454] : memref<128000xf32, #tpu.memory_space<vmem>> -> memref<64000xf32, #tpu.memory_space<vmem>>
    %dma_start3A_456 = tpu.memref_slice %arg3[%mul3A_453] : memref<16384000xf32, #tpu.memory_space<hbm>> -> memref<64000xf32, #tpu.memory_space<hbm>>
    %dma_start3A_457 = tpu.memref_slice %arg3[%mul3A_453] : memref<16384000xf32, #tpu.memory_space<hbm>> -> memref<64000xf32, #tpu.memory_space<hbm>>
    %dma_start3A_458 = arith.constant 0 : i32
    %dma_start3A_459 = tpu.memref_slice %arg5[%dma_start3A_458] : memref<128000xf32, #tpu.memory_space<vmem>> -> memref<64000xf32, #tpu.memory_space<vmem>>
    tpu.enqueue_dma source(%dma_start3A_459 : memref<64000xf32, #tpu.memory_space<vmem>>) target(%dma_start3A_457 : memref<64000xf32, #tpu.memory_space<hbm>>) target_semaphore(%arg6 : memref<!tpu.dma_semaphore, #tpu.memory_space<semaphore_mem>>)
    %dma_wait3A_460 = arith.constant 64000 : i32
    %dma_wait3A_461 = tpu.memref_slice %arg5[%dma_wait3A_460] : memref<128000xf32, #tpu.memory_space<vmem>> -> memref<64000xf32, #tpu.memory_space<vmem>>
    %dma_wait3A_462 = tpu.memref_slice %arg3[%mul3A_341] : memref<16384000xf32, #tpu.memory_space<hbm>> -> memref<64000xf32, #tpu.memory_space<hbm>>
    %dma_wait3A_463 = tpu.memref_slice %arg3[%mul3A_341] : memref<16384000xf32, #tpu.memory_space<hbm>> -> memref<64000xf32, #tpu.memory_space<hbm>>
    %dma_wait3A_464 = arith.constant 64000 : i32
    %dma_wait3A_465 = tpu.memref_slice %arg5[%dma_wait3A_464] : memref<128000xf32, #tpu.memory_space<vmem>> -> memref<64000xf32, #tpu.memory_space<vmem>>
    tpu.wait_dma2 semaphore(%arg7 : memref<!tpu.dma_semaphore, #tpu.memory_space<semaphore_mem>>) src(%dma_wait3A_465 : memref<64000xf32, #tpu.memory_space<vmem>>) dst(%dma_wait3A_463 : memref<64000xf32, #tpu.memory_space<hbm>>)
    %get3A_466 = arith.constant 192 : index
    %get3A_467 = tpu.vector_load %arg4[%get3A_466] {strides = array<i32>} : memref<512xi32, #tpu.memory_space<vmem>>, vector<16xi32>,
    %add3A_468 = arith.constant 0 : i32
    %add3A_469 = vector.broadcast %add3A_468 : i32 to vector<16xi32>
    %add3A_470 = arith.addi %iota3A, %add3A_469 : vector<16xi32>
    %mul3A_471 = arith.constant 1000 : i32
    %mul3A_472 = vector.broadcast %mul3A_471 : i32 to vector<16xi32>
    %mul3A_473 = arith.muli %add3A_470, %mul3A_472 : vector<16xi32>
    %add3A_474 = arith.addi %mul3A_473, %get3A_467 : vector<16xi32>
    %add3A_475 = arith.constant 64000 : i32
    %add3A_476 = vector.broadcast %add3A_475 : i32 to vector<16xi32>
    %add3A_477 = arith.addi %add3A_474, %add3A_476 : vector<16xi32>
    tpu.vector_store_idx %arg5[%add3A_477], %broadcast_in_dim3A_10 : memref<128000xf32, #tpu.memory_space<vmem>>[vector<16xi32>], vector<16xf32>,
    %get3A_478 = arith.constant 208 : index
    %get3A_479 = tpu.vector_load %arg4[%get3A_478] {strides = array<i32>} : memref<512xi32, #tpu.memory_space<vmem>>, vector<16xi32>,
    %add3A_480 = arith.constant 16 : i32
    %add3A_481 = vector.broadcast %add3A_480 : i32 to vector<16xi32>
    %add3A_482 = arith.addi %iota3A, %add3A_481 : vector<16xi32>
    %mul3A_483 = arith.constant 1000 : i32
    %mul3A_484 = vector.broadcast %mul3A_483 : i32 to vector<16xi32>
    %mul3A_485 = arith.muli %add3A_482, %mul3A_484 : vector<16xi32>
    %add3A_486 = arith.addi %mul3A_485, %get3A_479 : vector<16xi32>
    %add3A_487 = arith.constant 64000 : i32
    %add3A_488 = vector.broadcast %add3A_487 : i32 to vector<16xi32>
    %add3A_489 = arith.addi %add3A_486, %add3A_488 : vector<16xi32>
    tpu.vector_store_idx %arg5[%add3A_489], %broadcast_in_dim3A_10 : memref<128000xf32, #tpu.memory_space<vmem>>[vector<16xi32>], vector<16xf32>,
    %get3A_490 = arith.constant 224 : index
    %get3A_491 = tpu.vector_load %arg4[%get3A_490] {strides = array<i32>} : memref<512xi32, #tpu.memory_space<vmem>>, vector<16xi32>,
    %add3A_492 = arith.constant 32 : i32
    %add3A_493 = vector.broadcast %add3A_492 : i32 to vector<16xi32>
    %add3A_494 = arith.addi %iota3A, %add3A_493 : vector<16xi32>
    %mul3A_495 = arith.constant 1000 : i32
    %mul3A_496 = vector.broadcast %mul3A_495 : i32 to vector<16xi32>
    %mul3A_497 = arith.muli %add3A_494, %mul3A_496 : vector<16xi32>
    %add3A_498 = arith.addi %mul3A_497, %get3A_491 : vector<16xi32>
    %add3A_499 = arith.constant 64000 : i32
    %add3A_500 = vector.broadcast %add3A_499 : i32 to vector<16xi32>
    %add3A_501 = arith.addi %add3A_498, %add3A_500 : vector<16xi32>
    tpu.vector_store_idx %arg5[%add3A_501], %broadcast_in_dim3A_10 : memref<128000xf32, #tpu.memory_space<vmem>>[vector<16xi32>], vector<16xf32>,
    %get3A_502 = arith.constant 240 : index
    %get3A_503 = tpu.vector_load %arg4[%get3A_502] {strides = array<i32>} : memref<512xi32, #tpu.memory_space<vmem>>, vector<16xi32>,
    %add3A_504 = arith.constant 48 : i32
    %add3A_505 = vector.broadcast %add3A_504 : i32 to vector<16xi32>
    %add3A_506 = arith.addi %iota3A, %add3A_505 : vector<16xi32>
    %mul3A_507 = arith.constant 1000 : i32
    %mul3A_508 = vector.broadcast %mul3A_507 : i32 to vector<16xi32>
    %mul3A_509 = arith.muli %add3A_506, %mul3A_508 : vector<16xi32>
    %add3A_510 = arith.addi %mul3A_509, %get3A_503 : vector<16xi32>
    %add3A_511 = arith.constant 64000 : i32
    %add3A_512 = vector.broadcast %add3A_511 : i32 to vector<16xi32>
    %add3A_513 = arith.addi %add3A_510, %add3A_512 : vector<16xi32>
    tpu.vector_store_idx %arg5[%add3A_513], %broadcast_in_dim3A_10 : memref<128000xf32, #tpu.memory_space<vmem>>[vector<16xi32>], vector<16xf32>,
    %get3A_514 = arith.constant 320 : index
    %get3A_515 = tpu.vector_load %arg4[%get3A_514] {strides = array<i32>} : memref<512xi32, #tpu.memory_space<vmem>>, vector<16xi32>,
    %add3A_516 = arith.constant 0 : i32
    %add3A_517 = vector.broadcast %add3A_516 : i32 to vector<16xi32>
    %add3A_518 = arith.addi %iota3A, %add3A_517 : vector<16xi32>
    %mul3A_519 = arith.constant 1000 : i32
    %mul3A_520 = vector.broadcast %mul3A_519 : i32 to vector<16xi32>
    %mul3A_521 = arith.muli %add3A_518, %mul3A_520 : vector<16xi32>
    %add3A_522 = arith.addi %mul3A_521, %get3A_515 : vector<16xi32>
    %add3A_523 = arith.constant 64000 : i32
    %add3A_524 = vector.broadcast %add3A_523 : i32 to vector<16xi32>
    %add3A_525 = arith.addi %add3A_522, %add3A_524 : vector<16xi32>
    tpu.vector_store_idx %arg5[%add3A_525], %broadcast_in_dim3A_8 : memref<128000xf32, #tpu.memory_space<vmem>>[vector<16xi32>], vector<16xf32>,
    %get3A_526 = arith.constant 336 : index
    %get3A_527 = tpu.vector_load %arg4[%get3A_526] {strides = array<i32>} : memref<512xi32, #tpu.memory_space<vmem>>, vector<16xi32>,
    %add3A_528 = arith.constant 16 : i32
    %add3A_529 = vector.broadcast %add3A_528 : i32 to vector<16xi32>
    %add3A_530 = arith.addi %iota3A, %add3A_529 : vector<16xi32>
    %mul3A_531 = arith.constant 1000 : i32
    %mul3A_532 = vector.broadcast %mul3A_531 : i32 to vector<16xi32>
    %mul3A_533 = arith.muli %add3A_530, %mul3A_532 : vector<16xi32>
    %add3A_534 = arith.addi %mul3A_533, %get3A_527 : vector<16xi32>
    %add3A_535 = arith.constant 64000 : i32
    %add3A_536 = vector.broadcast %add3A_535 : i32 to vector<16xi32>
    %add3A_537 = arith.addi %add3A_534, %add3A_536 : vector<16xi32>
    tpu.vector_store_idx %arg5[%add3A_537], %broadcast_in_dim3A_8 : memref<128000xf32, #tpu.memory_space<vmem>>[vector<16xi32>], vector<16xf32>,
    %get3A_538 = arith.constant 352 : index
    %get3A_539 = tpu.vector_load %arg4[%get3A_538] {strides = array<i32>} : memref<512xi32, #tpu.memory_space<vmem>>, vector<16xi32>,
    %add3A_540 = arith.constant 32 : i32
    %add3A_541 = vector.broadcast %add3A_540 : i32 to vector<16xi32>
    %add3A_542 = arith.addi %iota3A, %add3A_541 : vector<16xi32>
    %mul3A_543 = arith.constant 1000 : i32
    %mul3A_544 = vector.broadcast %mul3A_543 : i32 to vector<16xi32>
    %mul3A_545 = arith.muli %add3A_542, %mul3A_544 : vector<16xi32>
    %add3A_546 = arith.addi %mul3A_545, %get3A_539 : vector<16xi32>
    %add3A_547 = arith.constant 64000 : i32
    %add3A_548 = vector.broadcast %add3A_547 : i32 to vector<16xi32>
    %add3A_549 = arith.addi %add3A_546, %add3A_548 : vector<16xi32>
    tpu.vector_store_idx %arg5[%add3A_549], %broadcast_in_dim3A_8 : memref<128000xf32, #tpu.memory_space<vmem>>[vector<16xi32>], vector<16xf32>,
    %get3A_550 = arith.constant 368 : index
    %get3A_551 = tpu.vector_load %arg4[%get3A_550] {strides = array<i32>} : memref<512xi32, #tpu.memory_space<vmem>>, vector<16xi32>,
    %add3A_552 = arith.constant 48 : i32
    %add3A_553 = vector.broadcast %add3A_552 : i32 to vector<16xi32>
    %add3A_554 = arith.addi %iota3A, %add3A_553 : vector<16xi32>
    %mul3A_555 = arith.constant 1000 : i32
    %mul3A_556 = vector.broadcast %mul3A_555 : i32 to vector<16xi32>
    %mul3A_557 = arith.muli %add3A_554, %mul3A_556 : vector<16xi32>
    %add3A_558 = arith.addi %mul3A_557, %get3A_551 : vector<16xi32>
    %add3A_559 = arith.constant 64000 : i32
    %add3A_560 = vector.broadcast %add3A_559 : i32 to vector<16xi32>
    %add3A_561 = arith.addi %add3A_558, %add3A_560 : vector<16xi32>
    tpu.vector_store_idx %arg5[%add3A_561], %broadcast_in_dim3A_8 : memref<128000xf32, #tpu.memory_space<vmem>>[vector<16xi32>], vector<16xf32>,
    %add3A_562 = arith.constant 320 : i32
    %add3A_563 = arith.addi %mul3A_2, %add3A_562 : i32
    %mul3A_564 = arith.constant 1000 : i32
    %mul3A_565 = arith.muli %add3A_563, %mul3A_564 : i32
    %dma_start3A_566 = arith.constant 64000 : i32
    %dma_start3A_567 = tpu.memref_slice %arg5[%dma_start3A_566] : memref<128000xf32, #tpu.memory_space<vmem>> -> memref<64000xf32, #tpu.memory_space<vmem>>
    %dma_start3A_568 = tpu.memref_slice %arg3[%mul3A_565] : memref<16384000xf32, #tpu.memory_space<hbm>> -> memref<64000xf32, #tpu.memory_space<hbm>>
    %dma_start3A_569 = tpu.memref_slice %arg3[%mul3A_565] : memref<16384000xf32, #tpu.memory_space<hbm>> -> memref<64000xf32, #tpu.memory_space<hbm>>
    %dma_start3A_570 = arith.constant 64000 : i32
    %dma_start3A_571 = tpu.memref_slice %arg5[%dma_start3A_570] : memref<128000xf32, #tpu.memory_space<vmem>> -> memref<64000xf32, #tpu.memory_space<vmem>>
    tpu.enqueue_dma source(%dma_start3A_571 : memref<64000xf32, #tpu.memory_space<vmem>>) target(%dma_start3A_569 : memref<64000xf32, #tpu.memory_space<hbm>>) target_semaphore(%arg7 : memref<!tpu.dma_semaphore, #tpu.memory_space<semaphore_mem>>)
    %dma_wait3A_572 = arith.constant 0 : i32
    %dma_wait3A_573 = tpu.memref_slice %arg5[%dma_wait3A_572] : memref<128000xf32, #tpu.memory_space<vmem>> -> memref<64000xf32, #tpu.memory_space<vmem>>
    %dma_wait3A_574 = tpu.memref_slice %arg3[%mul3A_453] : memref<16384000xf32, #tpu.memory_space<hbm>> -> memref<64000xf32, #tpu.memory_space<hbm>>
    %dma_wait3A_575 = tpu.memref_slice %arg3[%mul3A_453] : memref<16384000xf32, #tpu.memory_space<hbm>> -> memref<64000xf32, #tpu.memory_space<hbm>>
    %dma_wait3A_576 = arith.constant 0 : i32
    %dma_wait3A_577 = tpu.memref_slice %arg5[%dma_wait3A_576] : memref<128000xf32, #tpu.memory_space<vmem>> -> memref<64000xf32, #tpu.memory_space<vmem>>
    tpu.wait_dma2 semaphore(%arg6 : memref<!tpu.dma_semaphore, #tpu.memory_space<semaphore_mem>>) src(%dma_wait3A_577 : memref<64000xf32, #tpu.memory_space<vmem>>) dst(%dma_wait3A_575 : memref<64000xf32, #tpu.memory_space<hbm>>)
    %get3A_578 = arith.constant 256 : index
    %get3A_579 = tpu.vector_load %arg4[%get3A_578] {strides = array<i32>} : memref<512xi32, #tpu.memory_space<vmem>>, vector<16xi32>,
    %add3A_580 = arith.constant 0 : i32
    %add3A_581 = vector.broadcast %add3A_580 : i32 to vector<16xi32>
    %add3A_582 = arith.addi %iota3A, %add3A_581 : vector<16xi32>
    %mul3A_583 = arith.constant 1000 : i32
    %mul3A_584 = vector.broadcast %mul3A_583 : i32 to vector<16xi32>
    %mul3A_585 = arith.muli %add3A_582, %mul3A_584 : vector<16xi32>
    %add3A_586 = arith.addi %mul3A_585, %get3A_579 : vector<16xi32>
    %add3A_587 = arith.constant 0 : i32
    %add3A_588 = vector.broadcast %add3A_587 : i32 to vector<16xi32>
    %add3A_589 = arith.addi %add3A_586, %add3A_588 : vector<16xi32>
    tpu.vector_store_idx %arg5[%add3A_589], %broadcast_in_dim3A_10 : memref<128000xf32, #tpu.memory_space<vmem>>[vector<16xi32>], vector<16xf32>,
    %get3A_590 = arith.constant 272 : index
    %get3A_591 = tpu.vector_load %arg4[%get3A_590] {strides = array<i32>} : memref<512xi32, #tpu.memory_space<vmem>>, vector<16xi32>,
    %add3A_592 = arith.constant 16 : i32
    %add3A_593 = vector.broadcast %add3A_592 : i32 to vector<16xi32>
    %add3A_594 = arith.addi %iota3A, %add3A_593 : vector<16xi32>
    %mul3A_595 = arith.constant 1000 : i32
    %mul3A_596 = vector.broadcast %mul3A_595 : i32 to vector<16xi32>
    %mul3A_597 = arith.muli %add3A_594, %mul3A_596 : vector<16xi32>
    %add3A_598 = arith.addi %mul3A_597, %get3A_591 : vector<16xi32>
    %add3A_599 = arith.constant 0 : i32
    %add3A_600 = vector.broadcast %add3A_599 : i32 to vector<16xi32>
    %add3A_601 = arith.addi %add3A_598, %add3A_600 : vector<16xi32>
    tpu.vector_store_idx %arg5[%add3A_601], %broadcast_in_dim3A_10 : memref<128000xf32, #tpu.memory_space<vmem>>[vector<16xi32>], vector<16xf32>,
    %get3A_602 = arith.constant 288 : index
    %get3A_603 = tpu.vector_load %arg4[%get3A_602] {strides = array<i32>} : memref<512xi32, #tpu.memory_space<vmem>>, vector<16xi32>,
    %add3A_604 = arith.constant 32 : i32
    %add3A_605 = vector.broadcast %add3A_604 : i32 to vector<16xi32>
    %add3A_606 = arith.addi %iota3A, %add3A_605 : vector<16xi32>
    %mul3A_607 = arith.constant 1000 : i32
    %mul3A_608 = vector.broadcast %mul3A_607 : i32 to vector<16xi32>
    %mul3A_609 = arith.muli %add3A_606, %mul3A_608 : vector<16xi32>
    %add3A_610 = arith.addi %mul3A_609, %get3A_603 : vector<16xi32>
    %add3A_611 = arith.constant 0 : i32
    %add3A_612 = vector.broadcast %add3A_611 : i32 to vector<16xi32>
    %add3A_613 = arith.addi %add3A_610, %add3A_612 : vector<16xi32>
    tpu.vector_store_idx %arg5[%add3A_613], %broadcast_in_dim3A_10 : memref<128000xf32, #tpu.memory_space<vmem>>[vector<16xi32>], vector<16xf32>,
    %get3A_614 = arith.constant 304 : index
    %get3A_615 = tpu.vector_load %arg4[%get3A_614] {strides = array<i32>} : memref<512xi32, #tpu.memory_space<vmem>>, vector<16xi32>,
    %add3A_616 = arith.constant 48 : i32
    %add3A_617 = vector.broadcast %add3A_616 : i32 to vector<16xi32>
    %add3A_618 = arith.addi %iota3A, %add3A_617 : vector<16xi32>
    %mul3A_619 = arith.constant 1000 : i32
    %mul3A_620 = vector.broadcast %mul3A_619 : i32 to vector<16xi32>
    %mul3A_621 = arith.muli %add3A_618, %mul3A_620 : vector<16xi32>
    %add3A_622 = arith.addi %mul3A_621, %get3A_615 : vector<16xi32>
    %add3A_623 = arith.constant 0 : i32
    %add3A_624 = vector.broadcast %add3A_623 : i32 to vector<16xi32>
    %add3A_625 = arith.addi %add3A_622, %add3A_624 : vector<16xi32>
    tpu.vector_store_idx %arg5[%add3A_625], %broadcast_in_dim3A_10 : memref<128000xf32, #tpu.memory_space<vmem>>[vector<16xi32>], vector<16xf32>,
    %get3A_626 = arith.constant 384 : index
    %get3A_627 = tpu.vector_load %arg4[%get3A_626] {strides = array<i32>} : memref<512xi32, #tpu.memory_space<vmem>>, vector<16xi32>,
    %add3A_628 = arith.constant 0 : i32
    %add3A_629 = vector.broadcast %add3A_628 : i32 to vector<16xi32>
    %add3A_630 = arith.addi %iota3A, %add3A_629 : vector<16xi32>
    %mul3A_631 = arith.constant 1000 : i32
    %mul3A_632 = vector.broadcast %mul3A_631 : i32 to vector<16xi32>
    %mul3A_633 = arith.muli %add3A_630, %mul3A_632 : vector<16xi32>
    %add3A_634 = arith.addi %mul3A_633, %get3A_627 : vector<16xi32>
    %add3A_635 = arith.constant 0 : i32
    %add3A_636 = vector.broadcast %add3A_635 : i32 to vector<16xi32>
    %add3A_637 = arith.addi %add3A_634, %add3A_636 : vector<16xi32>
    tpu.vector_store_idx %arg5[%add3A_637], %broadcast_in_dim3A_8 : memref<128000xf32, #tpu.memory_space<vmem>>[vector<16xi32>], vector<16xf32>,
    %get3A_638 = arith.constant 400 : index
    %get3A_639 = tpu.vector_load %arg4[%get3A_638] {strides = array<i32>} : memref<512xi32, #tpu.memory_space<vmem>>, vector<16xi32>,
    %add3A_640 = arith.constant 16 : i32
    %add3A_641 = vector.broadcast %add3A_640 : i32 to vector<16xi32>
    %add3A_642 = arith.addi %iota3A, %add3A_641 : vector<16xi32>
    %mul3A_643 = arith.constant 1000 : i32
    %mul3A_644 = vector.broadcast %mul3A_643 : i32 to vector<16xi32>
    %mul3A_645 = arith.muli %add3A_642, %mul3A_644 : vector<16xi32>
    %add3A_646 = arith.addi %mul3A_645, %get3A_639 : vector<16xi32>
    %add3A_647 = arith.constant 0 : i32
    %add3A_648 = vector.broadcast %add3A_647 : i32 to vector<16xi32>
    %add3A_649 = arith.addi %add3A_646, %add3A_648 : vector<16xi32>
    tpu.vector_store_idx %arg5[%add3A_649], %broadcast_in_dim3A_8 : memref<128000xf32, #tpu.memory_space<vmem>>[vector<16xi32>], vector<16xf32>,
    %get3A_650 = arith.constant 416 : index
    %get3A_651 = tpu.vector_load %arg4[%get3A_650] {strides = array<i32>} : memref<512xi32, #tpu.memory_space<vmem>>, vector<16xi32>,
    %add3A_652 = arith.constant 32 : i32
    %add3A_653 = vector.broadcast %add3A_652 : i32 to vector<16xi32>
    %add3A_654 = arith.addi %iota3A, %add3A_653 : vector<16xi32>
    %mul3A_655 = arith.constant 1000 : i32
    %mul3A_656 = vector.broadcast %mul3A_655 : i32 to vector<16xi32>
    %mul3A_657 = arith.muli %add3A_654, %mul3A_656 : vector<16xi32>
    %add3A_658 = arith.addi %mul3A_657, %get3A_651 : vector<16xi32>
    %add3A_659 = arith.constant 0 : i32
    %add3A_660 = vector.broadcast %add3A_659 : i32 to vector<16xi32>
    %add3A_661 = arith.addi %add3A_658, %add3A_660 : vector<16xi32>
    tpu.vector_store_idx %arg5[%add3A_661], %broadcast_in_dim3A_8 : memref<128000xf32, #tpu.memory_space<vmem>>[vector<16xi32>], vector<16xf32>,
    %get3A_662 = arith.constant 432 : index
    %get3A_663 = tpu.vector_load %arg4[%get3A_662] {strides = array<i32>} : memref<512xi32, #tpu.memory_space<vmem>>, vector<16xi32>,
    %add3A_664 = arith.constant 48 : i32
    %add3A_665 = vector.broadcast %add3A_664 : i32 to vector<16xi32>
    %add3A_666 = arith.addi %iota3A, %add3A_665 : vector<16xi32>
    %mul3A_667 = arith.constant 1000 : i32
    %mul3A_668 = vector.broadcast %mul3A_667 : i32 to vector<16xi32>
    %mul3A_669 = arith.muli %add3A_666, %mul3A_668 : vector<16xi32>
    %add3A_670 = arith.addi %mul3A_669, %get3A_663 : vector<16xi32>
    %add3A_671 = arith.constant 0 : i32
    %add3A_672 = vector.broadcast %add3A_671 : i32 to vector<16xi32>
    %add3A_673 = arith.addi %add3A_670, %add3A_672 : vector<16xi32>
    tpu.vector_store_idx %arg5[%add3A_673], %broadcast_in_dim3A_8 : memref<128000xf32, #tpu.memory_space<vmem>>[vector<16xi32>], vector<16xf32>,
    %add3A_674 = arith.constant 384 : i32
    %add3A_675 = arith.addi %mul3A_2, %add3A_674 : i32
    %mul3A_676 = arith.constant 1000 : i32
    %mul3A_677 = arith.muli %add3A_675, %mul3A_676 : i32
    %dma_start3A_678 = arith.constant 0 : i32
    %dma_start3A_679 = tpu.memref_slice %arg5[%dma_start3A_678] : memref<128000xf32, #tpu.memory_space<vmem>> -> memref<64000xf32, #tpu.memory_space<vmem>>
    %dma_start3A_680 = tpu.memref_slice %arg3[%mul3A_677] : memref<16384000xf32, #tpu.memory_space<hbm>> -> memref<64000xf32, #tpu.memory_space<hbm>>
    %dma_start3A_681 = tpu.memref_slice %arg3[%mul3A_677] : memref<16384000xf32, #tpu.memory_space<hbm>> -> memref<64000xf32, #tpu.memory_space<hbm>>
    %dma_start3A_682 = arith.constant 0 : i32
    %dma_start3A_683 = tpu.memref_slice %arg5[%dma_start3A_682] : memref<128000xf32, #tpu.memory_space<vmem>> -> memref<64000xf32, #tpu.memory_space<vmem>>
    tpu.enqueue_dma source(%dma_start3A_683 : memref<64000xf32, #tpu.memory_space<vmem>>) target(%dma_start3A_681 : memref<64000xf32, #tpu.memory_space<hbm>>) target_semaphore(%arg6 : memref<!tpu.dma_semaphore, #tpu.memory_space<semaphore_mem>>)
    %dma_wait3A_684 = arith.constant 64000 : i32
    %dma_wait3A_685 = tpu.memref_slice %arg5[%dma_wait3A_684] : memref<128000xf32, #tpu.memory_space<vmem>> -> memref<64000xf32, #tpu.memory_space<vmem>>
    %dma_wait3A_686 = tpu.memref_slice %arg3[%mul3A_565] : memref<16384000xf32, #tpu.memory_space<hbm>> -> memref<64000xf32, #tpu.memory_space<hbm>>
    %dma_wait3A_687 = tpu.memref_slice %arg3[%mul3A_565] : memref<16384000xf32, #tpu.memory_space<hbm>> -> memref<64000xf32, #tpu.memory_space<hbm>>
    %dma_wait3A_688 = arith.constant 64000 : i32
    %dma_wait3A_689 = tpu.memref_slice %arg5[%dma_wait3A_688] : memref<128000xf32, #tpu.memory_space<vmem>> -> memref<64000xf32, #tpu.memory_space<vmem>>
    tpu.wait_dma2 semaphore(%arg7 : memref<!tpu.dma_semaphore, #tpu.memory_space<semaphore_mem>>) src(%dma_wait3A_689 : memref<64000xf32, #tpu.memory_space<vmem>>) dst(%dma_wait3A_687 : memref<64000xf32, #tpu.memory_space<hbm>>)
    %get3A_690 = arith.constant 320 : index
    %get3A_691 = tpu.vector_load %arg4[%get3A_690] {strides = array<i32>} : memref<512xi32, #tpu.memory_space<vmem>>, vector<16xi32>,
    %add3A_692 = arith.constant 0 : i32
    %add3A_693 = vector.broadcast %add3A_692 : i32 to vector<16xi32>
    %add3A_694 = arith.addi %iota3A, %add3A_693 : vector<16xi32>
    %mul3A_695 = arith.constant 1000 : i32
    %mul3A_696 = vector.broadcast %mul3A_695 : i32 to vector<16xi32>
    %mul3A_697 = arith.muli %add3A_694, %mul3A_696 : vector<16xi32>
    %add3A_698 = arith.addi %mul3A_697, %get3A_691 : vector<16xi32>
    %add3A_699 = arith.constant 64000 : i32
    %add3A_700 = vector.broadcast %add3A_699 : i32 to vector<16xi32>
    %add3A_701 = arith.addi %add3A_698, %add3A_700 : vector<16xi32>
    tpu.vector_store_idx %arg5[%add3A_701], %broadcast_in_dim3A_10 : memref<128000xf32, #tpu.memory_space<vmem>>[vector<16xi32>], vector<16xf32>,
    %get3A_702 = arith.constant 336 : index
    %get3A_703 = tpu.vector_load %arg4[%get3A_702] {strides = array<i32>} : memref<512xi32, #tpu.memory_space<vmem>>, vector<16xi32>,
    %add3A_704 = arith.constant 16 : i32
    %add3A_705 = vector.broadcast %add3A_704 : i32 to vector<16xi32>
    %add3A_706 = arith.addi %iota3A, %add3A_705 : vector<16xi32>
    %mul3A_707 = arith.constant 1000 : i32
    %mul3A_708 = vector.broadcast %mul3A_707 : i32 to vector<16xi32>
    %mul3A_709 = arith.muli %add3A_706, %mul3A_708 : vector<16xi32>
    %add3A_710 = arith.addi %mul3A_709, %get3A_703 : vector<16xi32>
    %add3A_711 = arith.constant 64000 : i32
    %add3A_712 = vector.broadcast %add3A_711 : i32 to vector<16xi32>
    %add3A_713 = arith.addi %add3A_710, %add3A_712 : vector<16xi32>
    tpu.vector_store_idx %arg5[%add3A_713], %broadcast_in_dim3A_10 : memref<128000xf32, #tpu.memory_space<vmem>>[vector<16xi32>], vector<16xf32>,
    %get3A_714 = arith.constant 352 : index
    %get3A_715 = tpu.vector_load %arg4[%get3A_714] {strides = array<i32>} : memref<512xi32, #tpu.memory_space<vmem>>, vector<16xi32>,
    %add3A_716 = arith.constant 32 : i32
    %add3A_717 = vector.broadcast %add3A_716 : i32 to vector<16xi32>
    %add3A_718 = arith.addi %iota3A, %add3A_717 : vector<16xi32>
    %mul3A_719 = arith.constant 1000 : i32
    %mul3A_720 = vector.broadcast %mul3A_719 : i32 to vector<16xi32>
    %mul3A_721 = arith.muli %add3A_718, %mul3A_720 : vector<16xi32>
    %add3A_722 = arith.addi %mul3A_721, %get3A_715 : vector<16xi32>
    %add3A_723 = arith.constant 64000 : i32
    %add3A_724 = vector.broadcast %add3A_723 : i32 to vector<16xi32>
    %add3A_725 = arith.addi %add3A_722, %add3A_724 : vector<16xi32>
    tpu.vector_store_idx %arg5[%add3A_725], %broadcast_in_dim3A_10 : memref<128000xf32, #tpu.memory_space<vmem>>[vector<16xi32>], vector<16xf32>,
    %get3A_726 = arith.constant 368 : index
    %get3A_727 = tpu.vector_load %arg4[%get3A_726] {strides = array<i32>} : memref<512xi32, #tpu.memory_space<vmem>>, vector<16xi32>,
    %add3A_728 = arith.constant 48 : i32
    %add3A_729 = vector.broadcast %add3A_728 : i32 to vector<16xi32>
    %add3A_730 = arith.addi %iota3A, %add3A_729 : vector<16xi32>
    %mul3A_731 = arith.constant 1000 : i32
    %mul3A_732 = vector.broadcast %mul3A_731 : i32 to vector<16xi32>
    %mul3A_733 = arith.muli %add3A_730, %mul3A_732 : vector<16xi32>
    %add3A_734 = arith.addi %mul3A_733, %get3A_727 : vector<16xi32>
    %add3A_735 = arith.constant 64000 : i32
    %add3A_736 = vector.broadcast %add3A_735 : i32 to vector<16xi32>
    %add3A_737 = arith.addi %add3A_734, %add3A_736 : vector<16xi32>
    tpu.vector_store_idx %arg5[%add3A_737], %broadcast_in_dim3A_10 : memref<128000xf32, #tpu.memory_space<vmem>>[vector<16xi32>], vector<16xf32>,
    %get3A_738 = arith.constant 448 : index
    %get3A_739 = tpu.vector_load %arg4[%get3A_738] {strides = array<i32>} : memref<512xi32, #tpu.memory_space<vmem>>, vector<16xi32>,
    %add3A_740 = arith.constant 0 : i32
    %add3A_741 = vector.broadcast %add3A_740 : i32 to vector<16xi32>
    %add3A_742 = arith.addi %iota3A, %add3A_741 : vector<16xi32>
    %mul3A_743 = arith.constant 1000 : i32
    %mul3A_744 = vector.broadcast %mul3A_743 : i32 to vector<16xi32>
    %mul3A_745 = arith.muli %add3A_742, %mul3A_744 : vector<16xi32>
    %add3A_746 = arith.addi %mul3A_745, %get3A_739 : vector<16xi32>
    %add3A_747 = arith.constant 64000 : i32
    %add3A_748 = vector.broadcast %add3A_747 : i32 to vector<16xi32>
    %add3A_749 = arith.addi %add3A_746, %add3A_748 : vector<16xi32>
    tpu.vector_store_idx %arg5[%add3A_749], %broadcast_in_dim3A_8 : memref<128000xf32, #tpu.memory_space<vmem>>[vector<16xi32>], vector<16xf32>,
    %get3A_750 = arith.constant 464 : index
    %get3A_751 = tpu.vector_load %arg4[%get3A_750] {strides = array<i32>} : memref<512xi32, #tpu.memory_space<vmem>>, vector<16xi32>,
    %add3A_752 = arith.constant 16 : i32
    %add3A_753 = vector.broadcast %add3A_752 : i32 to vector<16xi32>
    %add3A_754 = arith.addi %iota3A, %add3A_753 : vector<16xi32>
    %mul3A_755 = arith.constant 1000 : i32
    %mul3A_756 = vector.broadcast %mul3A_755 : i32 to vector<16xi32>
    %mul3A_757 = arith.muli %add3A_754, %mul3A_756 : vector<16xi32>
    %add3A_758 = arith.addi %mul3A_757, %get3A_751 : vector<16xi32>
    %add3A_759 = arith.constant 64000 : i32
    %add3A_760 = vector.broadcast %add3A_759 : i32 to vector<16xi32>
    %add3A_761 = arith.addi %add3A_758, %add3A_760 : vector<16xi32>
    tpu.vector_store_idx %arg5[%add3A_761], %broadcast_in_dim3A_8 : memref<128000xf32, #tpu.memory_space<vmem>>[vector<16xi32>], vector<16xf32>,
    %get3A_762 = arith.constant 480 : index
    %get3A_763 = tpu.vector_load %arg4[%get3A_762] {strides = array<i32>} : memref<512xi32, #tpu.memory_space<vmem>>, vector<16xi32>,
    %add3A_764 = arith.constant 32 : i32
    %add3A_765 = vector.broadcast %add3A_764 : i32 to vector<16xi32>
    %add3A_766 = arith.addi %iota3A, %add3A_765 : vector<16xi32>
    %mul3A_767 = arith.constant 1000 : i32
    %mul3A_768 = vector.broadcast %mul3A_767 : i32 to vector<16xi32>
    %mul3A_769 = arith.muli %add3A_766, %mul3A_768 : vector<16xi32>
    %add3A_770 = arith.addi %mul3A_769, %get3A_763 : vector<16xi32>
    %add3A_771 = arith.constant 64000 : i32
    %add3A_772 = vector.broadcast %add3A_771 : i32 to vector<16xi32>
    %add3A_773 = arith.addi %add3A_770, %add3A_772 : vector<16xi32>
    tpu.vector_store_idx %arg5[%add3A_773], %broadcast_in_dim3A_8 : memref<128000xf32, #tpu.memory_space<vmem>>[vector<16xi32>], vector<16xf32>,
    %get3A_774 = arith.constant 496 : index
    %get3A_775 = tpu.vector_load %arg4[%get3A_774] {strides = array<i32>} : memref<512xi32, #tpu.memory_space<vmem>>, vector<16xi32>,
    %add3A_776 = arith.constant 48 : i32
    %add3A_777 = vector.broadcast %add3A_776 : i32 to vector<16xi32>
    %add3A_778 = arith.addi %iota3A, %add3A_777 : vector<16xi32>
    %mul3A_779 = arith.constant 1000 : i32
    %mul3A_780 = vector.broadcast %mul3A_779 : i32 to vector<16xi32>
    %mul3A_781 = arith.muli %add3A_778, %mul3A_780 : vector<16xi32>
    %add3A_782 = arith.addi %mul3A_781, %get3A_775 : vector<16xi32>
    %add3A_783 = arith.constant 64000 : i32
    %add3A_784 = vector.broadcast %add3A_783 : i32 to vector<16xi32>
    %add3A_785 = arith.addi %add3A_782, %add3A_784 : vector<16xi32>
    tpu.vector_store_idx %arg5[%add3A_785], %broadcast_in_dim3A_8 : memref<128000xf32, #tpu.memory_space<vmem>>[vector<16xi32>], vector<16xf32>,
    %add3A_786 = arith.constant 448 : i32
    %add3A_787 = arith.addi %mul3A_2, %add3A_786 : i32
    %mul3A_788 = arith.constant 1000 : i32
    %mul3A_789 = arith.muli %add3A_787, %mul3A_788 : i32
    %dma_start3A_790 = arith.constant 64000 : i32
    %dma_start3A_791 = tpu.memref_slice %arg5[%dma_start3A_790] : memref<128000xf32, #tpu.memory_space<vmem>> -> memref<64000xf32, #tpu.memory_space<vmem>>
    %dma_start3A_792 = tpu.memref_slice %arg3[%mul3A_789] : memref<16384000xf32, #tpu.memory_space<hbm>> -> memref<64000xf32, #tpu.memory_space<hbm>>
    %dma_start3A_793 = tpu.memref_slice %arg3[%mul3A_789] : memref<16384000xf32, #tpu.memory_space<hbm>> -> memref<64000xf32, #tpu.memory_space<hbm>>
    %dma_start3A_794 = arith.constant 64000 : i32
    %dma_start3A_795 = tpu.memref_slice %arg5[%dma_start3A_794] : memref<128000xf32, #tpu.memory_space<vmem>> -> memref<64000xf32, #tpu.memory_space<vmem>>
    tpu.enqueue_dma source(%dma_start3A_795 : memref<64000xf32, #tpu.memory_space<vmem>>) target(%dma_start3A_793 : memref<64000xf32, #tpu.memory_space<hbm>>) target_semaphore(%arg7 : memref<!tpu.dma_semaphore, #tpu.memory_space<semaphore_mem>>)
    %dma_wait3A_796 = arith.constant 0 : i32
    %dma_wait3A_797 = tpu.memref_slice %arg5[%dma_wait3A_796] : memref<128000xf32, #tpu.memory_space<vmem>> -> memref<64000xf32, #tpu.memory_space<vmem>>
    %dma_wait3A_798 = tpu.memref_slice %arg3[%mul3A_677] : memref<16384000xf32, #tpu.memory_space<hbm>> -> memref<64000xf32, #tpu.memory_space<hbm>>
    %dma_wait3A_799 = tpu.memref_slice %arg3[%mul3A_677] : memref<16384000xf32, #tpu.memory_space<hbm>> -> memref<64000xf32, #tpu.memory_space<hbm>>
    %dma_wait3A_800 = arith.constant 0 : i32
    %dma_wait3A_801 = tpu.memref_slice %arg5[%dma_wait3A_800] : memref<128000xf32, #tpu.memory_space<vmem>> -> memref<64000xf32, #tpu.memory_space<vmem>>
    tpu.wait_dma2 semaphore(%arg6 : memref<!tpu.dma_semaphore, #tpu.memory_space<semaphore_mem>>) src(%dma_wait3A_801 : memref<64000xf32, #tpu.memory_space<vmem>>) dst(%dma_wait3A_799 : memref<64000xf32, #tpu.memory_space<hbm>>)
    %dma_wait3A_802 = arith.constant 64000 : i32
    %dma_wait3A_803 = tpu.memref_slice %arg5[%dma_wait3A_802] : memref<128000xf32, #tpu.memory_space<vmem>> -> memref<64000xf32, #tpu.memory_space<vmem>>
    %dma_wait3A_804 = tpu.memref_slice %arg3[%mul3A_789] : memref<16384000xf32, #tpu.memory_space<hbm>> -> memref<64000xf32, #tpu.memory_space<hbm>>
    %dma_wait3A_805 = tpu.memref_slice %arg3[%mul3A_789] : memref<16384000xf32, #tpu.memory_space<hbm>> -> memref<64000xf32, #tpu.memory_space<hbm>>
    %dma_wait3A_806 = arith.constant 64000 : i32
    %dma_wait3A_807 = tpu.memref_slice %arg5[%dma_wait3A_806] : memref<128000xf32, #tpu.memory_space<vmem>> -> memref<64000xf32, #tpu.memory_space<vmem>>
    tpu.wait_dma2 semaphore(%arg7 : memref<!tpu.dma_semaphore, #tpu.memory_space<semaphore_mem>>) src(%dma_wait3A_807 : memref<64000xf32, #tpu.memory_space<vmem>>) dst(%dma_wait3A_805 : memref<64000xf32, #tpu.memory_space<hbm>>)
    return
  }
}

</mosaic_0001>

<sc_bundles>
// kernel: kernel.3.cloned.1.call-start
scs
__scs_entry_jumppad:
0x0: {  	(pc) =	sbr.rel $0x88, $3  }
0x1: {  	(tag) =	ssettag $0x0;
	lr =	simm.s32 $0x1  }
0x2: {  	[smem:$0x3FA0] =	sst lr;
	_ =	strace $0xD0000000  }
0x3: {  	_ = 	snop  }
0x4: {  	_ = 	snop  }
0x5: {  	_ = 	snop  }
0x6: {  	_ = 	snop  }
0x7: {  	_ = 	snop  }
__scs_overlays_trampoline_lowered:
0x8: {  	[smem:$0x3FAF] =	sst s0  }
0x9: {  	[smem:$0x3FB0] =	sst s1  }
0xa: {  	[smem:$0x3FB1] =	sst s2  }
0xb: {  	[smem:$0x3FB2] =	sst s3  }
0xc: {  	[smem:$0x3FB3] =	sst s4  }
0xd: {  	[smem:$0x3FB4] =	sst s5  }
0xe: {  	[smem:$0x3FB5] =	sst s6  }
0xf: {  	[smem:$0x3FB6] =	sst s7  }
0x10: {  	[smem:$0x3FB7] =	sst s8  }
0x11: {  	[smem:$0x3FB8] =	sst s9;
	s0 =	simm.s32 @!p0 $0x0  }
0x12: {  	s1 =	sld [smem:$0x3F9E];
	s0 =	simm.s32 @p0 $0x1  }
0x13: {  	[smem:$0x3FB9] =	sst s0;
	s0 =	simm.s32 @!p1 $0x0  }
0x14: {  	s2 =	sld [smem:$0x3F9D];
	s0 =	simm.s32 @p1 $0x1  }
0x15: {  	[smem:$0x3FBA] =	sst s0;
	s0 =	simm.s32 @!p2 $0x0  }
0x16: {  	s3 =	sld [smem:$0x3FDB];
	s0 =	simm.s32 @p2 $0x1  }
0x17: {  	s4 =	simm.s32 $0x1BF5;
	[smem:$0x3FBC] =	sst s0  }
0x18: {  	s0 =	sld [smem:$0x3F9F];
	_ =	swait.ge [sflag:s4], $0x0  }
0x19: {  	s7 =	sld [smem:$0x3FA0]  }
0x1a: {  	s8 =	sadd.s32 $0xFFFFE003, lr  }
0x1b: {  	s9 =	sadd.s32 $0xFFFFFEF7, lr;
	s5 =	simm.s32 $0xFFFFFFFF;
	p2 =	slt.u32 s8, $0xFFFFF086  }
0x1c: {  	p1 =	slt.u32 s9, $0xF7A;
	s5 =	simm.s32 @!p2 $0x0  }
0x1d: {  	s5 =	simm.s32 @p1 $0x1;
	p0 =	seq.s32 s7, s2  }
0x1e: {  	s7 =	smul.u32 @!p0 $0xF7A, s2;
	p2 =	seq.s32 @!p0 s5, $0x0  }
0x1f: {  	s9 =	smul.u32 $0xF7A, s1;
	s8 =	simm.s32 @!p0 $0x1BF5;
	p2 =	por !p2, p0  }
0x20: {  	[sflag:s8] =	ssyncset.s32 @!p0 $0xFFFFF086;
	s6 =	sadd.s32 @!p0 s3, s7;
	s7 =	simm.s32 @!p0 $0x108  }
0x21: {  	s3 =	sadd.s32 s3, s9;
	s6 =	sadd.s32 @!p0 $0x88, s6;
	s7 =	simm.s32 @p2 $0x1082  }
0x22: {  	[simem:s7], [sflag:s8] =	dma.local @!p0 [hbm:s6], $0xF7A  }
0x23: {  	s9 =	sor.u32 $0xD0000000, s2;
	s6 =	simm.s32 $0x108;
	_ =	swait.ge @!p0 [sflag:s8], $0x0  }
0x24: {  	s3 =	sadd.s32 $0x88, s3;
	s6 =	simm.s32 @!p1 $0x1082;
	[sflag:s4] =	ssyncset.s32 $0xFFFFF086  }
0x25: {  	[simem:s6], [sflag:s4] =	dma.local [hbm:s3], $0xF7A  }
0x26: {  	[smem:$0x3FA0] =	sst s1;
	(tag) =	ssettag s2;
	_ =	strace s9  }
0x27: {  	s1 =	sld [smem:$0x3FB0]  }
0x28: {  	s2 =	sld [smem:$0x3FB1]  }
0x29: {  	s4 =	sld [smem:$0x3FB3]  }
0x2a: {  	p0 =	seq.s32 s5, $0x0;
	s5 =	sld [smem:$0x3FB4]  }
0x2b: {  	s6 =	sld [smem:$0x3FB5]  }
0x2c: {  	s7 =	sld [smem:$0x3FB6]  }
0x2d: {  	s3 =	simm.s32 $0x108;
	s8 =	sld [smem:$0x3FB7]  }
0x2e: {  	s3 =	simm.s32 @!p0 $0x1082;
	s9 =	sld [smem:$0x3FB8]  }
0x2f: {  	lr =	sadd.s32 s0, s3;
	s0 =	sld [smem:$0x3FAF]  }
0x30: {  	s3 =	sld [smem:$0x3FB2]  }
0x31: {  	[smem:$0x3FBB] =	sst s10  }
0x32: {  	s10 =	sld [smem:$0x3FB9];
	_ =	sdelay $0x3  }
0x33: {  	p0 =	seq.s32 s10, $0x1;
	s10 =	sld [smem:$0x3FBB];
	_ =	sdelay $0x3  }
0x34: {  	[smem:$0x3FBB] =	sst s10  }
0x35: {  	s10 =	sld [smem:$0x3FBA];
	_ =	sdelay $0x3  }
0x36: {  	p1 =	seq.s32 s10, $0x1;
	s10 =	sld [smem:$0x3FBB];
	_ =	sdelay $0x3  }
0x37: {  	[smem:$0x3FBB] =	sst s10  }
0x38: {  	s10 =	sld [smem:$0x3FBC]  }
0x39: {  	_ = 	snop;
	(pc) =	sbr.ind lr, $3  }
0x3a: {  	_ = 	snop  }
0x3b: {  	_ = 	snop  }
0x3c: {  	p2 =	seq.s32 s10, $0x1;
	s10 =	sld [smem:$0x3FBB]  }
0x3d: {  	_ =	shalt  }
0x3e: {  	_ =	shalt  }
0x3f: {  	_ =	shalt  }
0x40: {  	_ =	shalt  }
0x41: {  	_ =	shalt  }
0x42: {  	_ =	shalt  }
0x43: {  	_ =	shalt  }
0x44: {  	_ =	shalt  }
0x45: {  	_ =	shalt  }
0x46: {  	_ =	shalt  }
0x47: {  	_ =	shalt  }
0x48: {  	_ =	shalt  }
0x49: {  	_ =	shalt  }
0x4a: {  	_ =	shalt  }
0x4b: {  	_ =	shalt  }
0x4c: {  	_ =	shalt  }
0x4d: {  	_ =	shalt  }
0x4e: {  	_ =	shalt  }
0x4f: {  	_ =	shalt  }
0x50: {  	_ =	shalt  }
0x51: {  	_ =	shalt  }
0x52: {  	_ =	shalt  }
0x53: {  	_ =	shalt  }
0x54: {  	_ =	shalt  }
0x55: {  	_ =	shalt  }
0x56: {  	_ =	shalt  }
0x57: {  	_ =	shalt  }
0x58: {  	_ =	shalt  }
0x59: {  	_ =	shalt  }
0x5a: {  	_ =	shalt  }
0x5b: {  	_ =	shalt  }
0x5c: {  	_ =	shalt  }
0x5d: {  	_ =	shalt  }
0x5e: {  	_ =	shalt  }
0x5f: {  	_ =	shalt  }
0x60: {  	_ =	shalt  }
0x61: {  	_ =	shalt  }
0x62: {  	_ =	shalt  }
0x63: {  	_ =	shalt  }
0x64: {  	_ =	shalt  }
0x65: {  	_ =	shalt  }
0x66: {  	_ =	shalt  }
0x67: {  	_ =	shalt  }
0x68: {  	_ =	shalt  }
0x69: {  	_ =	shalt  }
0x6a: {  	_ =	shalt  }
0x6b: {  	_ =	shalt  }
0x6c: {  	_ =	shalt  }
0x6d: {  	_ =	shalt  }
0x6e: {  	_ =	shalt  }
0x6f: {  	_ =	shalt  }
0x70: {  	_ =	shalt  }
0x71: {  	_ =	shalt  }
0x72: {  	_ =	shalt  }
0x73: {  	_ =	shalt  }
0x74: {  	_ =	shalt  }
0x75: {  	_ =	shalt  }
0x76: {  	_ =	shalt  }
0x77: {  	_ =	shalt  }
0x78: {  	_ =	shalt  }
0x79: {  	_ =	shalt  }
0x7a: {  	_ =	shalt  }
0x7b: {  	_ =	shalt  }
0x7c: {  	_ =	shalt  }
0x7d: {  	_ =	shalt  }
0x7e: {  	_ =	shalt  }
0x7f: {  	_ =	shalt  }
0x80: {  	_ =	shalt  }
0x81: {  	_ =	shalt  }
0x82: {  	_ =	shalt  }
0x83: {  	_ =	shalt  }
0x84: {  	_ =	shalt  }
0x85: {  	_ =	shalt  }
0x86: {  	_ =	shalt  }
0x87: {  	_ =	shalt  }
.Lfunc_end0:
.L_simem_size_0:
called_computation_lowered:
.L_overlay_start_0:
0x88: {  	s2 =	sld [smem:$0x3FD9]  }
0x89: {  	s3 =	sld [smem:$0x3FFE];
	_ =	sdelay $0x1  }
0x8a: {  	s1 =	srdreg.scid  }
0x8b: {  	s0 =	sand.u32 $0x1, s1  }
0x8c: {  	s18 =	sshll.u32 s0, $0xA;
	s2 =	sadd.s32 s3, s2  }
0x8d: {  	s2 =	sadd.s32 s2, s18  }
0x8e: {  	[smem:$0x3FC7] =	sst s2  }
0x8f: {  	_ = 	snop  }
0x90: {  	s2 =	sld [smem:$0x3FC9]  }
0x91: {  	s19 =	sld [smem:$0x3FD0];
	(tm) =	ssettm $0x1  }
0x92: {  	s4 =	sld [smem:$0x3FFB];
	_ =	sdelay $0x3  }
0x93: {  	_ =	strace s4  }
0x94: {  	s4 =	sld [smem:$0x3FFC];
	_ =	sdelay $0x3  }
0x95: {  	_ =	strace s4  }
0x96: {  	s4 =	sld [smem:$0x3FFD];
	_ =	sdelay $0x3  }
0x97: {  	_ =	strace s4  }
0x98: {  	_ =	strace $0x8FFFFFFF  }
0x99: {  	s20 =	sld [smem:$0x3FDB];
	_ =	sdelay $0x1  }
0x9a: {  	s5 =	simm.s32 $_scs_section_size  }
0x9b: {  	s6 =	simm.s32 $_size__tile_overlayer_lowered;
	s7 =	simm.s32 $_tile_overlayer_lowered  }
0x9c: {  	s23 =	simm.s32 $0x1BFF;
	s22 =	sshll.u32 s7, $0x1;
	s4 =	sadd.s32 s5, s20  }
0x9d: {  	s8 =	simm.s32 $0x0;
	s21 =	sshll.u32 s6, $0x1;
	s6 =	sadd.s32 s22, s4  }
0x9e: {  	[timem:s8], [sflag:s23] =	dma.local [hbm:s6], s21  }
0x9f: {  	_ =	swait.ge [sflag:s23], s21  }
0xa0: {  	s5 =	ssub.s32 $0x0, s21;
	[sflag:s23] =	ssyncset.done $0x0  }
0xa1: {  	[sflag:s23] =	ssyncadd.s32 s5;
	_ =	sdelay $0x1  }
0xa2: {  	s24 =	simm.s32 $0x1B8B  }
0xa3: {  	_ =	swait.ge [sflag:s24], $0x1  }
0xa4: {  	[sflag:s24] =	ssyncset.done $0x0  }
0xa5: {  	s25 =	simm.s32 $0x1B8E;
	[sflag:s24] =	ssyncadd.s32 $0xFFFFFFFF  }
0xa6: {  	s26 =	simm.s32 $execute0_lowered;
	[smem:$0x3FD2] =	sst s25  }
0xa7: {  	s5 =	sshll.u32 s26, $0x1;
	_ =	strace $0x80000046;
	[dreg:$0x1] =	wrdreg $0xFFFFFFFF  }
0xa8: {  	s28 =	simm.s32 $_size_execute0_lowered;
	s4 =	sadd.s32 s4, s5;
	[dreg:$0x0] =	wrdreg $0x0  }
0xa9: {  	s5 =	sshll.u32 s28, $0x1;
	[dreg:$0x2] =	wrdreg s4  }
0xaa: {  	[dreg:$0x3] =	wrdreg s5  }
0xab: {  	[dreg:$0x4] =	wrdreg $0xC0  }
0xac: {  	_ =	task [dreg:s8], $0x5FFFF  }
0xad: {  	[dreg:$0x1] =	wrdreg $0xFFFFFFFF  }
0xae: {  	[dreg:$0x0] =	wrdreg $0x60  }
0xaf: {  	[dreg:$0x2] =	wrdreg s2  }
0xb0: {  	[dreg:$0x3] =	wrdreg s19  }
0xb1: {  	[dreg:$0x4] =	wrdreg $0x9  }
0xb2: {  	_ =	task.clear_ibuf [dreg:s8], $0x5FFFF;
	_ =	strace $0x90000046  }
0xb3: {  	s29 =	simm.s32 $0x9;
	_ =	strace $0x80000048  }
0xb4: {  	_ =	swait.ge [sflag:s29], $0x1  }
0xb5: {  	[sflag:s29] =	ssyncadd.s32 $0xFFFFFFFF  }
0xb6: {  	_ =	strace $0x90000048  }
0xb7: {  	_ =	sfence  }
0xb8: {  	s30 =	sld [smem:$0x0];
	_ =	sdelay $0x2  }
0xb9: {  	s31 =	sshll.u32 s1, $0xD;
	s1 =	sshrl.u32 s1, $0x2  }
0xba: {  	s3 =	sand.u32 $0x4000, s31;
	s1 =	sadd.s32 s1, s30  }
0xbb: {  	s0 =	sor.u32 s3, s0;
	s1 =	sshll.u32 s1, $0x11  }
0xbc: {  	s0 =	sor.u32 s1, s0  }
0xbd: {  	s0 =	sadd.s32 $0x8F2B, s0  }
0xbe: {  	[sflag:s0] =	ssyncadd.remote.s32 $0x1  }
0xbf: {  	_ =	sfence.sel $0xFFFF  }
0xc0: {  	[dreg:$0x0] =	wrdreg $0xFFFFFFFF;
	(pc) =	sbr.abs _section_cstart, $3  }
0xc1: {  	[dreg:$0x1] =	wrdreg $0xFFFFFFFF  }
0xc2: {  	_ =	task.clear_ibuf [dreg:s8], $0x2FFFF;
	_ =	strace $0x9FFFFFFF  }
0xc3: {  	(tm) =	ssettm $0x7FFFFFFF  }
tec
execute0_lowered:
.L_overlay_start_1:
0x0: {  	(tag) =	ssettag $0x1  }
0x1: {  	s3 =	rddreg [dreg:$0x0];
	s1 =	srdreg.scid  }
0x2: {  	s0 =	stileid.u32;
	s4 =	rddreg [dreg:$0x1];
	s2 =	simm.s32 $0x0  }
0x3: {  	s13 =	simm.s32 $0x3;
	s14 =	simm.s32 $0x200;
	s15 =	simm.s32 $0xFC00  }
0x4: {  	s16 =	simm.s32 $0x1;
	s5 =	sand.u32 $0x1, s1;
	s6 =	sshll.u32 s0, $0x1  }
0x5: {  	s17 =	simm.s32 $0x2;
	s18 =	simm.s32 $0x0;
	s6 =	sor.u32 s5, s6  }
0x6: {  	[smem:$0x7FF] =	sst s2;
	s5 =	ssub.s32 $0x2, s5;
	s7 =	smul.u32 $0x7D000, s6  }
0x7: {  	v0 =	vlaneseq.u32;
	s1 =	rddreg [dreg:$0x2];
	_ =	strace $0x80000047;
	s8 =	sshrl.u32 s5, $0x1  }
0x8: {  	v0 =	vmul.u32 $0x3E8, v0;
	s9 =	sshll.u32 s6, $0x6;
	s6 =	smul.u32 $0xFA00, s6;
	s7 =	sshrl.u32 s7, $0x3  }
0x9: {  	s12 =	ssub.s32 s5, s8;
	s3 =	sadd.s32 s3, s9;
	s11 =	sadd.s32 s4, s7  }
0xa: {  	v1 =	vimm.f32 $0.0e+00;
	v2 =	vimm.f32 $1.000000000e+00;
	v3 =	vadd.s32 $0x3E80, v0;
	s12 =	smax.u32 s12, $0x1;
	s4 =	sadd.s32 s4, s6;
	s5 =	sadd.s32 $0x1F40, s11  }
0xb: {  	v4 =	vadd.s32 $0x7D00, v0;
	v5 =	vadd.s32 $0xBB80, v0;
	v6 =	vadd.s32 $0xFA00, v0;
	s6 =	sadd.s32 $0x3E80, s11;
	s7 =	sadd.s32 $0x5DC0, s11;
	s8 =	sadd.s32 $0x7D00, s11  }
0xc: {  	v7 =	vadd.s32 $0x13880, v0;
	v8 =	vadd.s32 $0x17700, v0;
	v9 =	vadd.s32 $0x1B580, v0;
	s9 =	sadd.s32 $0x9C40, s11;
	s10 =	sadd.s32 $0xBB80, s11;
	s11 =	sadd.s32 $0xDAC0, s11  }
.LBB2_1:
0xd: {  	[tilespmem:s2], [sflag:$0x3] =	stream.linear.gather [hbm4b:s3+s2], $0x200, $0x38;
	[tilespmem:$0x1F600] =	vst v63  }
0xe: {  	_ =	swait.ge [sflag:s13], $0x200  }
0xf: {  	[sflag:s13] =	ssyncset.done $0x0  }
0x10: {  	s19 =	simm.s32 $0x40;
	s20 =	simm.s32 $0x0;
	[sflag:s13] =	ssyncadd.s32 $0xFFFFFE00  }
.LBB2_2:
0x11: {  	p0 =	sne.s32 s19, $0x7CFC0;
	[tilespmem:s20+$0x200] =	vst v1;
	s20 =	smov.u32 s19;
	s19 =	sadd.s32 $0x40, s19  }
.Ltmp0:
0x12: {  	(pc) =	sbr.rel @p0 .LBB2_2-.Ltmp0, $2  }
0x13: {  	_ =	sdelay $0x2  }
0x14: {  	s20 =	sshra.s32 s20, $0x2  }
0x15: {  	[tilespmem:s20+$0x200] =	vst v1  }
0x16: {  	v10 =	vld [tilespmem:$0x0];
	_ =	sdelay $0x4  }
0x17: {  	v10 =	vadd.s32 v0, v10;
	_ =	sdelay $0x4  }
0x18: {  	[tilespmem:v10+s14+$0x0] =	vst.idx.msk $0xffff, v2  }
0x19: {  	v10 =	vld [tilespmem:$0x10];
	_ =	sdelay $0x4  }
0x1a: {  	v10 =	vadd.s32 v3, v10;
	_ =	sdelay $0x4  }
0x1b: {  	[tilespmem:v10+s14+$0x0] =	vst.idx.msk $0xffff, v2  }
0x1c: {  	v10 =	vld [tilespmem:$0x20];
	_ =	sdelay $0x4  }
0x1d: {  	v10 =	vadd.s32 v4, v10;
	_ =	sdelay $0x4  }
0x1e: {  	[tilespmem:v10+s14+$0x0] =	vst.idx.msk $0xffff, v2  }
0x1f: {  	v10 =	vld [tilespmem:$0x30];
	_ =	sdelay $0x4  }
0x20: {  	v10 =	vadd.s32 v5, v10;
	_ =	sdelay $0x4  }
0x21: {  	[tilespmem:v10+s14+$0x0] =	vst.idx.msk $0xffff, v2  }
0x22: {  	[hbm4b:s4+s2] =	stream.linear.scatter [tilespmem:s14], [sflag:$0x1], $0xFA00, $0x38;
	[tilespmem:$0x1F600] =	vst v63  }
0x23: {  	v10 =	vld [tilespmem:$0x40];
	_ =	sdelay $0x4  }
0x24: {  	v10 =	vadd.s32 v6, v10;
	_ =	sdelay $0x4  }
0x25: {  	[tilespmem:v10+s14+$0x0] =	vst.idx.msk $0xffff, v2  }
0x26: {  	v10 =	vld [tilespmem:$0x50];
	_ =	sdelay $0x4  }
0x27: {  	v10 =	vadd.s32 v7, v10;
	_ =	sdelay $0x4  }
0x28: {  	[tilespmem:v10+s14+$0x0] =	vst.idx.msk $0xffff, v2  }
0x29: {  	v10 =	vld [tilespmem:$0x60];
	_ =	sdelay $0x4  }
0x2a: {  	v10 =	vadd.s32 v8, v10;
	_ =	sdelay $0x4  }
0x2b: {  	[tilespmem:v10+s14+$0x0] =	vst.idx.msk $0xffff, v2  }
0x2c: {  	v10 =	vld [tilespmem:$0x70];
	_ =	sdelay $0x4  }
0x2d: {  	v10 =	vadd.s32 v9, v10;
	_ =	sdelay $0x4  }
0x2e: {  	[tilespmem:v10+s14+$0x0] =	vst.idx.msk $0xffff, v2  }
0x2f: {  	[hbm4b:s5+s2] =	stream.linear.scatter [tilespmem:s15], [sflag:$0x2], $0xFA00, $0x38;
	[tilespmem:$0x1F600] =	vst v63  }
0x30: {  	_ =	swait.ge [sflag:s16], $0xFA00  }
0x31: {  	[sflag:s16] =	ssyncset.done $0x0  }
0x32: {  	[sflag:s16] =	ssyncadd.s32 $0xFFFF0600  }
0x33: {  	v10 =	vld [tilespmem:$0x0];
	_ =	sdelay $0x4  }
0x34: {  	v10 =	vadd.s32 v0, v10;
	_ =	sdelay $0x4  }
0x35: {  	[tilespmem:v10+s14+$0x0] =	vst.idx.msk $0xffff, v1  }
0x36: {  	v10 =	vld [tilespmem:$0x10];
	_ =	sdelay $0x4  }
0x37: {  	v10 =	vadd.s32 v3, v10;
	_ =	sdelay $0x4  }
0x38: {  	[tilespmem:v10+s14+$0x0] =	vst.idx.msk $0xffff, v1  }
0x39: {  	v10 =	vld [tilespmem:$0x20];
	_ =	sdelay $0x4  }
0x3a: {  	v10 =	vadd.s32 v4, v10;
	_ =	sdelay $0x4  }
0x3b: {  	[tilespmem:v10+s14+$0x0] =	vst.idx.msk $0xffff, v1  }
0x3c: {  	v10 =	vld [tilespmem:$0x30];
	_ =	sdelay $0x4  }
0x3d: {  	v10 =	vadd.s32 v5, v10;
	_ =	sdelay $0x4  }
0x3e: {  	[tilespmem:v10+s14+$0x0] =	vst.idx.msk $0xffff, v1  }
0x3f: {  	v10 =	vld [tilespmem:$0x80];
	_ =	sdelay $0x4  }
0x40: {  	v10 =	vadd.s32 v0, v10;
	_ =	sdelay $0x4  }
0x41: {  	[tilespmem:v10+s14+$0x0] =	vst.idx.msk $0xffff, v2  }
0x42: {  	v10 =	vld [tilespmem:$0x90];
	_ =	sdelay $0x4  }
0x43: {  	v10 =	vadd.s32 v3, v10;
	_ =	sdelay $0x4  }
0x44: {  	[tilespmem:v10+s14+$0x0] =	vst.idx.msk $0xffff, v2  }
0x45: {  	v10 =	vld [tilespmem:$0xA0];
	_ =	sdelay $0x4  }
0x46: {  	v10 =	vadd.s32 v4, v10;
	_ =	sdelay $0x4  }
0x47: {  	[tilespmem:v10+s14+$0x0] =	vst.idx.msk $0xffff, v2  }
0x48: {  	v10 =	vld [tilespmem:$0xB0];
	_ =	sdelay $0x4  }
0x49: {  	v10 =	vadd.s32 v5, v10;
	_ =	sdelay $0x4  }
0x4a: {  	[tilespmem:v10+s14+$0x0] =	vst.idx.msk $0xffff, v2  }
0x4b: {  	[hbm4b:s6+s2] =	stream.linear.scatter [tilespmem:s14], [sflag:$0x1], $0xFA00, $0x38;
	[tilespmem:$0x1F600] =	vst v63  }
0x4c: {  	_ =	swait.ge [sflag:s17], $0xFA00  }
0x4d: {  	[sflag:s17] =	ssyncset.done $0x0  }
0x4e: {  	[sflag:s17] =	ssyncadd.s32 $0xFFFF0600  }
0x4f: {  	v10 =	vld [tilespmem:$0x40];
	_ =	sdelay $0x4  }
0x50: {  	v10 =	vadd.s32 v6, v10;
	_ =	sdelay $0x4  }
0x51: {  	[tilespmem:v10+s14+$0x0] =	vst.idx.msk $0xffff, v1  }
0x52: {  	v10 =	vld [tilespmem:$0x50];
	_ =	sdelay $0x4  }
0x53: {  	v10 =	vadd.s32 v7, v10;
	_ =	sdelay $0x4  }
0x54: {  	[tilespmem:v10+s14+$0x0] =	vst.idx.msk $0xffff, v1  }
0x55: {  	v10 =	vld [tilespmem:$0x60];
	_ =	sdelay $0x4  }
0x56: {  	v10 =	vadd.s32 v8, v10;
	_ =	sdelay $0x4  }
0x57: {  	[tilespmem:v10+s14+$0x0] =	vst.idx.msk $0xffff, v1  }
0x58: {  	v10 =	vld [tilespmem:$0x70];
	_ =	sdelay $0x4  }
0x59: {  	v10 =	vadd.s32 v9, v10;
	_ =	sdelay $0x4  }
0x5a: {  	[tilespmem:v10+s14+$0x0] =	vst.idx.msk $0xffff, v1  }
0x5b: {  	v10 =	vld [tilespmem:$0xC0];
	_ =	sdelay $0x4  }
0x5c: {  	v10 =	vadd.s32 v6, v10;
	_ =	sdelay $0x4  }
0x5d: {  	[tilespmem:v10+s14+$0x0] =	vst.idx.msk $0xffff, v2  }
0x5e: {  	v10 =	vld [tilespmem:$0xD0];
	_ =	sdelay $0x4  }
0x5f: {  	v10 =	vadd.s32 v7, v10;
	_ =	sdelay $0x4  }
0x60: {  	[tilespmem:v10+s14+$0x0] =	vst.idx.msk $0xffff, v2  }
0x61: {  	v10 =	vld [tilespmem:$0xE0];
	_ =	sdelay $0x4  }
0x62: {  	v10 =	vadd.s32 v8, v10;
	_ =	sdelay $0x4  }
0x63: {  	[tilespmem:v10+s14+$0x0] =	vst.idx.msk $0xffff, v2  }
0x64: {  	v10 =	vld [tilespmem:$0xF0];
	_ =	sdelay $0x4  }
0x65: {  	v10 =	vadd.s32 v9, v10;
	_ =	sdelay $0x4  }
0x66: {  	[tilespmem:v10+s14+$0x0] =	vst.idx.msk $0xffff, v2  }
0x67: {  	[hbm4b:s7+s2] =	stream.linear.scatter [tilespmem:s15], [sflag:$0x2], $0xFA00, $0x38;
	[tilespmem:$0x1F600] =	vst v63  }
0x68: {  	_ =	swait.ge [sflag:s16], $0xFA00  }
0x69: {  	[sflag:s16] =	ssyncset.done $0x0  }
0x6a: {  	[sflag:s16] =	ssyncadd.s32 $0xFFFF0600  }
0x6b: {  	v10 =	vld [tilespmem:$0x80];
	_ =	sdelay $0x4  }
0x6c: {  	v10 =	vadd.s32 v0, v10;
	_ =	sdelay $0x4  }
0x6d: {  	[tilespmem:v10+s14+$0x0] =	vst.idx.msk $0xffff, v1  }
0x6e: {  	v10 =	vld [tilespmem:$0x90];
	_ =	sdelay $0x4  }
0x6f: {  	v10 =	vadd.s32 v3, v10;
	_ =	sdelay $0x4  }
0x70: {  	[tilespmem:v10+s14+$0x0] =	vst.idx.msk $0xffff, v1  }
0x71: {  	v10 =	vld [tilespmem:$0xA0];
	_ =	sdelay $0x4  }
0x72: {  	v10 =	vadd.s32 v4, v10;
	_ =	sdelay $0x4  }
0x73: {  	[tilespmem:v10+s14+$0x0] =	vst.idx.msk $0xffff, v1  }
0x74: {  	v10 =	vld [tilespmem:$0xB0];
	_ =	sdelay $0x4  }
0x75: {  	v10 =	vadd.s32 v5, v10;
	_ =	sdelay $0x4  }
0x76: {  	[tilespmem:v10+s14+$0x0] =	vst.idx.msk $0xffff, v1  }
0x77: {  	v10 =	vld [tilespmem:$0x100];
	_ =	sdelay $0x4  }
0x78: {  	v10 =	vadd.s32 v0, v10;
	_ =	sdelay $0x4  }
0x79: {  	[tilespmem:v10+s14+$0x0] =	vst.idx.msk $0xffff, v2  }
0x7a: {  	v10 =	vld [tilespmem:$0x110];
	_ =	sdelay $0x4  }
0x7b: {  	v10 =	vadd.s32 v3, v10;
	_ =	sdelay $0x4  }
0x7c: {  	[tilespmem:v10+s14+$0x0] =	vst.idx.msk $0xffff, v2  }
0x7d: {  	v10 =	vld [tilespmem:$0x120];
	_ =	sdelay $0x4  }
0x7e: {  	v10 =	vadd.s32 v4, v10;
	_ =	sdelay $0x4  }
0x7f: {  	[tilespmem:v10+s14+$0x0] =	vst.idx.msk $0xffff, v2  }
0x80: {  	v10 =	vld [tilespmem:$0x130];
	_ =	sdelay $0x4  }
0x81: {  	v10 =	vadd.s32 v5, v10;
	_ =	sdelay $0x4  }
0x82: {  	[tilespmem:v10+s14+$0x0] =	vst.idx.msk $0xffff, v2  }
0x83: {  	[hbm4b:s8+s2] =	stream.linear.scatter [tilespmem:s14], [sflag:$0x1], $0xFA00, $0x38;
	[tilespmem:$0x1F600] =	vst v63  }
0x84: {  	_ =	swait.ge [sflag:s17], $0xFA00  }
0x85: {  	[sflag:s17] =	ssyncset.done $0x0  }
0x86: {  	[sflag:s17] =	ssyncadd.s32 $0xFFFF0600  }
0x87: {  	v10 =	vld [tilespmem:$0xC0];
	_ =	sdelay $0x4  }
0x88: {  	v10 =	vadd.s32 v6, v10;
	_ =	sdelay $0x4  }
0x89: {  	[tilespmem:v10+s14+$0x0] =	vst.idx.msk $0xffff, v1  }
0x8a: {  	v10 =	vld [tilespmem:$0xD0];
	_ =	sdelay $0x4  }
0x8b: {  	v10 =	vadd.s32 v7, v10;
	_ =	sdelay $0x4  }
0x8c: {  	[tilespmem:v10+s14+$0x0] =	vst.idx.msk $0xffff, v1  }
0x8d: {  	v10 =	vld [tilespmem:$0xE0];
	_ =	sdelay $0x4  }
0x8e: {  	v10 =	vadd.s32 v8, v10;
	_ =	sdelay $0x4  }
0x8f: {  	[tilespmem:v10+s14+$0x0] =	vst.idx.msk $0xffff, v1  }
0x90: {  	v10 =	vld [tilespmem:$0xF0];
	_ =	sdelay $0x4  }
0x91: {  	v10 =	vadd.s32 v9, v10;
	_ =	sdelay $0x4  }
0x92: {  	[tilespmem:v10+s14+$0x0] =	vst.idx.msk $0xffff, v1  }
0x93: {  	v10 =	vld [tilespmem:$0x140];
	_ =	sdelay $0x4  }
0x94: {  	v10 =	vadd.s32 v6, v10;
	_ =	sdelay $0x4  }
0x95: {  	[tilespmem:v10+s14+$0x0] =	vst.idx.msk $0xffff, v2  }
0x96: {  	v10 =	vld [tilespmem:$0x150];
	_ =	sdelay $0x4  }
0x97: {  	v10 =	vadd.s32 v7, v10;
	_ =	sdelay $0x4  }
0x98: {  	[tilespmem:v10+s14+$0x0] =	vst.idx.msk $0xffff, v2  }
0x99: {  	v10 =	vld [tilespmem:$0x160];
	_ =	sdelay $0x4  }
0x9a: {  	v10 =	vadd.s32 v8, v10;
	_ =	sdelay $0x4  }
0x9b: {  	[tilespmem:v10+s14+$0x0] =	vst.idx.msk $0xffff, v2  }
0x9c: {  	v10 =	vld [tilespmem:$0x170];
	_ =	sdelay $0x4  }
0x9d: {  	v10 =	vadd.s32 v9, v10;
	_ =	sdelay $0x4  }
0x9e: {  	[tilespmem:v10+s14+$0x0] =	vst.idx.msk $0xffff, v2  }
0x9f: {  	[hbm4b:s9+s2] =	stream.linear.scatter [tilespmem:s15], [sflag:$0x2], $0xFA00, $0x38;
	[tilespmem:$0x1F600] =	vst v63  }
0xa0: {  	_ =	swait.ge [sflag:s16], $0xFA00  }
0xa1: {  	[sflag:s16] =	ssyncset.done $0x0  }
0xa2: {  	[sflag:s16] =	ssyncadd.s32 $0xFFFF0600  }
0xa3: {  	v10 =	vld [tilespmem:$0x100];
	_ =	sdelay $0x4  }
0xa4: {  	v10 =	vadd.s32 v0, v10;
	_ =	sdelay $0x4  }
0xa5: {  	[tilespmem:v10+s14+$0x0] =	vst.idx.msk $0xffff, v1  }
0xa6: {  	v10 =	vld [tilespmem:$0x110];
	_ =	sdelay $0x4  }
0xa7: {  	v10 =	vadd.s32 v3, v10;
	_ =	sdelay $0x4  }
0xa8: {  	[tilespmem:v10+s14+$0x0] =	vst.idx.msk $0xffff, v1  }
0xa9: {  	v10 =	vld [tilespmem:$0x120];
	_ =	sdelay $0x4  }
0xaa: {  	v10 =	vadd.s32 v4, v10;
	_ =	sdelay $0x4  }
0xab: {  	[tilespmem:v10+s14+$0x0] =	vst.idx.msk $0xffff, v1  }
0xac: {  	v10 =	vld [tilespmem:$0x130];
	_ =	sdelay $0x4  }
0xad: {  	v10 =	vadd.s32 v5, v10;
	_ =	sdelay $0x4  }
0xae: {  	[tilespmem:v10+s14+$0x0] =	vst.idx.msk $0xffff, v1  }
0xaf: {  	v10 =	vld [tilespmem:$0x180];
	_ =	sdelay $0x4  }
0xb0: {  	v10 =	vadd.s32 v0, v10;
	_ =	sdelay $0x4  }
0xb1: {  	[tilespmem:v10+s14+$0x0] =	vst.idx.msk $0xffff, v2  }
0xb2: {  	v10 =	vld [tilespmem:$0x190];
	_ =	sdelay $0x4  }
0xb3: {  	v10 =	vadd.s32 v3, v10;
	_ =	sdelay $0x4  }
0xb4: {  	[tilespmem:v10+s14+$0x0] =	vst.idx.msk $0xffff, v2  }
0xb5: {  	v10 =	vld [tilespmem:$0x1A0];
	_ =	sdelay $0x4  }
0xb6: {  	v10 =	vadd.s32 v4, v10;
	_ =	sdelay $0x4  }
0xb7: {  	[tilespmem:v10+s14+$0x0] =	vst.idx.msk $0xffff, v2  }
0xb8: {  	v10 =	vld [tilespmem:$0x1B0];
	_ =	sdelay $0x4  }
0xb9: {  	v10 =	vadd.s32 v5, v10;
	_ =	sdelay $0x4  }
0xba: {  	[tilespmem:v10+s14+$0x0] =	vst.idx.msk $0xffff, v2  }
0xbb: {  	[hbm4b:s10+s2] =	stream.linear.scatter [tilespmem:s14], [sflag:$0x1], $0xFA00, $0x38;
	[tilespmem:$0x1F600] =	vst v63  }
0xbc: {  	_ =	swait.ge [sflag:s17], $0xFA00  }
0xbd: {  	[sflag:s17] =	ssyncset.done $0x0  }
0xbe: {  	[sflag:s17] =	ssyncadd.s32 $0xFFFF0600  }
0xbf: {  	v10 =	vld [tilespmem:$0x140];
	_ =	sdelay $0x4  }
0xc0: {  	v10 =	vadd.s32 v6, v10;
	_ =	sdelay $0x4  }
0xc1: {  	[tilespmem:v10+s14+$0x0] =	vst.idx.msk $0xffff, v1  }
0xc2: {  	v10 =	vld [tilespmem:$0x150];
	_ =	sdelay $0x4  }
0xc3: {  	v10 =	vadd.s32 v7, v10;
	_ =	sdelay $0x4  }
0xc4: {  	[tilespmem:v10+s14+$0x0] =	vst.idx.msk $0xffff, v1  }
0xc5: {  	v10 =	vld [tilespmem:$0x160];
	_ =	sdelay $0x4  }
0xc6: {  	v10 =	vadd.s32 v8, v10;
	_ =	sdelay $0x4  }
0xc7: {  	[tilespmem:v10+s14+$0x0] =	vst.idx.msk $0xffff, v1  }
0xc8: {  	v10 =	vld [tilespmem:$0x170];
	_ =	sdelay $0x4  }
0xc9: {  	v10 =	vadd.s32 v9, v10;
	_ =	sdelay $0x4  }
0xca: {  	[tilespmem:v10+s14+$0x0] =	vst.idx.msk $0xffff, v1  }
0xcb: {  	v10 =	vld [tilespmem:$0x1C0];
	_ =	sdelay $0x4  }
0xcc: {  	v10 =	vadd.s32 v6, v10;
	_ =	sdelay $0x4  }
0xcd: {  	[tilespmem:v10+s14+$0x0] =	vst.idx.msk $0xffff, v2  }
0xce: {  	v10 =	vld [tilespmem:$0x1D0];
	_ =	sdelay $0x4  }
0xcf: {  	v10 =	vadd.s32 v7, v10;
	_ =	sdelay $0x4  }
0xd0: {  	[tilespmem:v10+s14+$0x0] =	vst.idx.msk $0xffff, v2  }
0xd1: {  	v10 =	vld [tilespmem:$0x1E0];
	_ =	sdelay $0x4  }
0xd2: {  	v10 =	vadd.s32 v8, v10;
	_ =	sdelay $0x4  }
0xd3: {  	[tilespmem:v10+s14+$0x0] =	vst.idx.msk $0xffff, v2  }
0xd4: {  	v10 =	vld [tilespmem:$0x1F0];
	_ =	sdelay $0x4  }
0xd5: {  	v10 =	vadd.s32 v9, v10;
	_ =	sdelay $0x4  }
0xd6: {  	s18 =	sadd.s32 $0x1, s18;
	[tilespmem:v10+s14+$0x0] =	vst.idx.msk $0xffff, v2  }
0xd7: {  	[hbm4b:s11+s2] =	stream.linear.scatter [tilespmem:s15], [sflag:$0x2], $0xFA00, $0x38;
	[tilespmem:$0x1F600] =	vst v63  }
0xd8: {  	p0 =	sne.s32 s18, s12;
	_ =	swait.ge [sflag:s16], $0xFA00  }
.Ltmp1:
0xd9: {  	[sflag:s16] =	ssyncset.done $0x0;
	(pc) =	sbr.rel @p0 .LBB2_1-.Ltmp1, $4  }
0xda: {  	[sflag:s16] =	ssyncadd.s32 $0xFFFF0600  }
0xdb: {  	_ =	swait.ge [sflag:s17], $0xFA00  }
0xdc: {  	[sflag:s17] =	ssyncset.done $0x0  }
0xdd: {  	[sflag:s17] =	ssyncadd.s32 $0xFFFF0600  }
0xde: {  	_ =	sfence.sel $0x180000  }
0xdf: {  	[bflag:$0x0] =	sbarrier.arrive $0xFFFF  }
0xe0: {  	p0 =	sne.s32 s0, $0x0;
	_ =	strace $0x90000047  }
0xe1: {  	s0 =	sadd.s32 @!p0 $0x100000, s1;
	[bflag:$0x2] =	sbarrier.arrive $0xFFFF  }
0xe2: {  	[sflag:s0] =	ssyncadd.tile.s32 @!p0 $0x1;
	_ =	shalt  }
.Lfunc_end2:
_tile_overlayer_lowered:
.L_overlay_start_2:
0xe3: {  	(tag) =	ssettag $0x2  }
0xe4: {  	s0 =	rddreg [dreg:$0x0];
	s2 =	stileid.u32  }
0xe5: {  	s1 =	rddreg [dreg:$0x1];
	p0 =	sne.s32 s2, $0x0  }
0xe6: {  	s3 =	rddreg [dreg:$0x2];
	[bflag:$0x3] =	sbarrier.arrive $0xFFFF;
	s2 =	simm.s32 @!p0 $0x1C03  }
0xe7: {  	[timem:s3], [sflag:s2] =	dma.local @!p0 [hbm:s0], s1  }
0xe8: {  	s0 =	simm.s32 @!p0 $0x3  }
0xe9: {  	_ =	swait.ge @!p0 [sflag:s0], s1  }
0xea: {  	s1 =	ssub.s32 @!p0 $0x0, s1;
	[sflag:s0] =	ssyncset.done @!p0 $0x0  }
0xeb: {  	[sflag:s0] =	ssyncadd.s32 @!p0 s1  }
0xec: {  	[bflag:$0x3] =	sbarrier.arrive $0xFFFF  }
0xed: {  	_ =	shalt  }

</sc_bundles>
